<compile_context>
chip_gen: v7x
topology: tpu7x:2x2x1
jax: 0.10.2.dev20260603
libtpu: 0.0.44.dev20260713+nightly
codegen_flags: <defaults>
</compile_context>

<pallas_src>
import functools

import jax
import jax.numpy as jnp
from jax import lax
from jax.experimental import pallas as pl
from jax.experimental.pallas import tpu as pltpu
from jax.experimental.pallas import tpu_sc as plsc

_EPS = 1e-5
_BPP = 4


def _argmin_loss_body(x_ref, w_ref, xs_ref, w2_ref, idx_ref, loss_ref,
                      q_ref=None, *, boff=0):
    nb, T, C = x_ref.shape
    x = x_ref[...].reshape(nb * T, C)
    w = w_ref[...]
    K = w.shape[0]
    R = nb * T

    s = lax.dot_general(x, w, (((1,), (1,)), ((), ())),
                        preferred_element_type=jnp.float32)
    p = pl.program_id(0)
    xs = xs_ref[pl.ds((p + boff) * R, R)].reshape(R, 1)
    w2 = w2_ref[...]
    d2 = (xs + w2) - 2.0 * s

    dmin = jnp.min(d2, axis=1, keepdims=True)
    eqm = d2 == dmin
    kiota = lax.broadcasted_iota(jnp.int32, (R, K), 1).astype(jnp.float32)
    idx = jnp.min(jnp.where(eqm, kiota, float(K)), axis=1,
                  keepdims=True)
    idx_ref[pl.ds(p * R, R)] = idx[:, 0].astype(jnp.int32)

    oh = kiota == idx
    ef = oh.astype(jnp.float32)
    w2_win = lax.dot_general(ef, w2, (((1,), (1,)), ((), ())),
                             preferred_element_type=jnp.float32)
    s_win = 0.5 * ((xs + w2_win) - dmin)
    xn = jnp.maximum(jnp.sqrt(xs), _EPS)
    wn = jnp.maximum(jnp.sqrt(w2_win), _EPS)
    row = (w2_win / (wn * wn) + xs / (xn * xn)
           - 2.0 * s_win / (wn * xn))
    row2 = row.reshape(nb, T)
    for j in range(nb):
        loss_ref[p * nb + j] = jnp.sum(row2[j]) / (T * C)

    if q_ref is not None:
        quant = lax.dot_general(ef, w, (((1,), (0,)), ((), ())),
                                preferred_element_type=jnp.float32)
        q_ref[...] = quant.reshape(nb, T, C)


def _argmin_and_loss(x, W, x2, w2, off, nb, with_quant=False):
    B, T, C = x.shape
    K = W.shape[0]
    grid = nb // _BPP
    boff = off // _BPP
    assert off % _BPP == 0
    out_specs = [
        pl.BlockSpec((nb * T,), lambda b: (0,)),
        pl.BlockSpec(memory_space=pltpu.SMEM),
    ]
    out_shape = [
        jax.ShapeDtypeStruct((nb * T,), jnp.int32),
        jax.ShapeDtypeStruct((nb,), jnp.float32),
    ]
    if with_quant:
        out_specs.append(
            pl.BlockSpec((_BPP, T, C), lambda b, boff=boff: (b + boff, 0, 0)))
        out_shape.append(jax.ShapeDtypeStruct((B, T, C), jnp.float32))
    return pl.pallas_call(
        functools.partial(_argmin_loss_body, boff=boff),
        grid=(grid,),
        in_specs=[
            pl.BlockSpec((_BPP, T, C), lambda b, boff=boff: (b + boff, 0, 0)),
            pl.BlockSpec((K, C), lambda b: (0, 0)),
            pl.BlockSpec((B * T,), lambda b: (0,)),
            pl.BlockSpec((1, K), lambda b: (0, 0)),
        ],
        out_specs=out_specs,
        out_shape=out_shape,
    )(x, W, x2, w2)


@functools.cache
def _make_sc_gather(V, D, B, OUT_ROWS):
    info = plsc.get_sparse_core_info()
    NC, NS = info.num_cores, info.num_subcores
    NW = NC * NS
    assert B % (8 * NW) == 0
    b_per_w = B // NW
    NCH = 3
    CH = b_per_w // NCH
    assert CH % 8 == 0
    mesh = plsc.VectorSubcoreMesh(core_axis_name="c", subcore_axis_name="s")

    @functools.partial(
        pl.kernel, mesh=mesh,
        out_type=jax.ShapeDtypeStruct((OUT_ROWS, D), jnp.float32),
        scratch_types=[
            pltpu.VMEM((b_per_w,), jnp.int32),
            pltpu.VMEM((NCH, CH, D), jnp.float32),
            [pltpu.SemaphoreType.DMA] * NCH,
            pltpu.SemaphoreType.DMA,
        ],
    )
    def gather(table_hbm, idx_hbm, out_hbm, idx_v, rows_v, gsems, wsem):
        wid = lax.axis_index("s") * NC + lax.axis_index("c")
        base = wid * b_per_w
        pltpu.sync_copy(idx_hbm.at[pl.ds(base, b_per_w)], idx_v)
        hs = [pltpu.async_copy(table_hbm.at[idx_v.at[pl.ds(c * CH, CH)]],
                               rows_v.at[c], gsems[c])
              for c in range(NCH)]
        ws = []
        for c in range(NCH):
            hs[c].wait()
            ws.append(pltpu.async_copy(
                rows_v.at[c], out_hbm.at[pl.ds(base + c * CH, CH)], wsem))
        for w in ws:
            w.wait()

    return gather


def kernel(x, W):
    B, T, C = x.shape
    K = W.shape[0]
    H = B // 2
    x2 = jnp.sum(x * x, axis=-1).reshape(B * T)
    w2 = jnp.sum(W * W, axis=-1)[None, :]
    idx_a, loss_a = _argmin_and_loss(x, W, x2, w2, 0, H)
    quant_a = _make_sc_gather(K, C, H * T, H * T)(W, idx_a)
    idx_b, loss_b, quant_bf = _argmin_and_loss(x, W, x2, w2, H, B - H,
                                               with_quant=True)
    quant = lax.dynamic_update_slice(
        quant_bf.reshape(B * T, C), quant_a, (0, 0)).reshape(B, T, C)
    idx = jnp.concatenate([idx_a, idx_b]).reshape(B, T)
    loss = jnp.concatenate([loss_a, loss_b])
    return quant, loss, loss, idx

# --- scband reference (transcript-rebuilt; emitter-appended) ---
"""Pipeline reference for scband-quantizer1d-15547781611764 (READ-ONLY COPY).

The authoritative reference and input builder live on the scoring server;
editing this copy changes nothing except your own understanding.
"""

import jax, jax.numpy as jnp
import numpy as np


def _normalize(v, eps=1e-5):
    n = jnp.linalg.norm(v, ord=2, axis=-1, keepdims=True)
    return v / jnp.maximum(n, eps)


def setup_inputs(seed: int = 0) -> dict:
    key = jax.random.key(seed)
    k1, k2 = jax.random.split(key)
    x = jax.random.normal(k1, (16, 576, 256), dtype=jnp.float32)
    W = jax.random.normal(k2, (1024, 256), dtype=jnp.float32)
    return {"x": x, "W": W}


def reference(x, W):
    B, T, C = x.shape
    # cdist(x, W) pairwise L2 distances; argmin over codebook.
    # Use the expansion ||x-w||^2 = ||x||^2 + ||w||^2 - 2 x.w (same argmin as cdist).
    x2 = jnp.sum(x * x, axis=-1, keepdims=True)            # [B,T,1]
    w2 = jnp.sum(W * W, axis=-1)                            # [K]
    d2 = x2 + w2[None, None, :] - 2.0 * jnp.einsum('btc,kc->btk', x, W)
    min_encoding_indices = jnp.argmin(d2, axis=-1)          # [B,T]
    quant_out = jnp.take(W, min_encoding_indices.reshape(-1), axis=0).reshape(B, T, C)
    x_norm = _normalize(x)
    quant_norm = _normalize(quant_out)
    commitment_loss = jnp.mean((jax.lax.stop_gradient(quant_norm) - x_norm) ** 2, axis=(1, 2))
    codebook_loss = jnp.mean((quant_norm - jax.lax.stop_gradient(x_norm)) ** 2, axis=(1, 2))
    # straight-through estimator
    quant_st = x + jax.lax.stop_gradient(quant_out - x)
    min_encoding_indices = min_encoding_indices.reshape(B, -1)
    return quant_st, codebook_loss, commitment_loss, min_encoding_indices

if __name__ == "__main__":
    import jax
    _d = setup_inputs()
    print(jax.jit(kernel)(*tuple(_d.values())))

</pallas_src>

<mosaic_0001>
#map = affine_map<(d0, d1) -> (0, 0)>
#map1 = affine_map<(d0, d1) -> (0)>
module attributes {stable_mosaic.version = 14 : i64} {
  func.func @gather(%arg0: i32, %arg1: i32, %arg2: memref<1024x256xf32, #tpu.memory_space<hbm>>, %arg3: memref<4608xi32, #tpu.memory_space<hbm>>, %arg4: memref<4608x256xf32, #tpu.memory_space<hbm>>, %arg5: memref<144xi32, #tpu.memory_space<vmem>>, %arg6: memref<3x48x256xf32, #tpu.memory_space<vmem>>, %arg7: memref<!tpu.dma_semaphore, #tpu.memory_space<semaphore_mem>>, %arg8: memref<!tpu.dma_semaphore, #tpu.memory_space<semaphore_mem>>, %arg9: memref<!tpu.dma_semaphore, #tpu.memory_space<semaphore_mem>>, %arg10: memref<!tpu.dma_semaphore, #tpu.memory_space<semaphore_mem>>) attributes {dimension_semantics = [#tpu.dimension_semantics<core_parallel>, #tpu.dimension_semantics<subcore_parallel>], iteration_bounds = array<i64: 2, 16>, scalar_prefetch = 0 : i64, scratch_operands = 6 : i64, tpu.core_type = #tpu.core_type<sc_vector_subcore>, window_params = [{transform_indices = #map}, {transform_indices = #map1}, {transform_indices = #map}]} {
    %mul3A = arith.constant 2 : i32
    %mul3A_0 = arith.muli %arg1, %mul3A : i32
    %add3A = arith.addi %mul3A_0, %arg0 : i32
    %mul3A_1 = arith.constant 144 : i32
    %mul3A_2 = arith.muli %add3A, %mul3A_1 : i32
    "tpu.region"() ({
      %run_scoped3A = tpu.sem_alloc : memref<!tpu.dma_semaphore, #tpu.memory_space<semaphore_mem>>
      %dma_start3A_145 = tpu.memref_slice %arg3[%mul3A_2] : memref<4608xi32, #tpu.memory_space<hbm>> -> memref<144xi32, #tpu.memory_space<hbm>>
      %dma_start3A_146 = tpu.memref_slice %arg3[%mul3A_2] : memref<4608xi32, #tpu.memory_space<hbm>> -> memref<144xi32, #tpu.memory_space<hbm>>
      tpu.enqueue_dma source(%dma_start3A_146 : memref<144xi32, #tpu.memory_space<hbm>>) target(%arg5 : memref<144xi32, #tpu.memory_space<vmem>>) target_semaphore(%run_scoped3A : memref<!tpu.dma_semaphore, #tpu.memory_space<semaphore_mem>>)
      %dma_wait3A_147 = tpu.memref_slice %arg3[%mul3A_2] : memref<4608xi32, #tpu.memory_space<hbm>> -> memref<144xi32, #tpu.memory_space<hbm>>
      %dma_wait3A_148 = tpu.memref_slice %arg3[%mul3A_2] : memref<4608xi32, #tpu.memory_space<hbm>> -> memref<144xi32, #tpu.memory_space<hbm>>
      tpu.wait_dma2 semaphore(%run_scoped3A : memref<!tpu.dma_semaphore, #tpu.memory_space<semaphore_mem>>) src(%dma_wait3A_148 : memref<144xi32, #tpu.memory_space<hbm>>) dst(%arg5 : memref<144xi32, #tpu.memory_space<vmem>>)
      tpu.yield
    }) : () -> ()
    %dma_start3A = arith.constant 0 : i32
    %dma_start3A_3 = arith.constant 0 : i32
    %dma_start3A_4 = arith.constant 0 : i32
    %dma_start3A_5 = tpu.memref_slice %arg6[%dma_start3A, %dma_start3A_3, %dma_start3A_4] : memref<3x48x256xf32, #tpu.memory_space<vmem>> -> memref<1x48x256xf32, #tpu.memory_space<vmem>>
    %dma_start3A_6 = tpu.memref_squeeze %dma_start3A_5 : memref<1x48x256xf32, #tpu.memory_space<vmem>> -> memref<48x256xf32, #tpu.memory_space<vmem>>
    %dma_start3A_7 = arith.constant 0 : i32
    %dma_start3A_8 = tpu.memref_slice %arg5[%dma_start3A_7] : memref<144xi32, #tpu.memory_space<vmem>> -> memref<48xi32, #tpu.memory_space<vmem>>
    %dma_start3A_9 = arith.constant 0 : i32
    %dma_start3A_10 = arith.constant 0 : i32
    %dma_start3A_11 = tpu.memref_slice %arg2[%dma_start3A_9, %dma_start3A_10] : memref<1024x256xf32, #tpu.memory_space<hbm>> -> memref<1024x256xf32, #tpu.memory_space<hbm>>
    tpu.enqueue_indirect_dma source(%dma_start3A_11 : memref<1024x256xf32, #tpu.memory_space<hbm>>) target(%dma_start3A_6 : memref<48x256xf32, #tpu.memory_space<vmem>>) offsets(%dma_start3A_8 : memref<48xi32, #tpu.memory_space<vmem>>) semaphore(%arg7 : memref<!tpu.dma_semaphore, #tpu.memory_space<semaphore_mem>>)
    %dma_start3A_12 = arith.constant 1 : i32
    %dma_start3A_13 = arith.constant 0 : i32
    %dma_start3A_14 = arith.constant 0 : i32
    %dma_start3A_15 = tpu.memref_slice %arg6[%dma_start3A_12, %dma_start3A_13, %dma_start3A_14] : memref<3x48x256xf32, #tpu.memory_space<vmem>> -> memref<1x48x256xf32, #tpu.memory_space<vmem>>
    %dma_start3A_16 = tpu.memref_squeeze %dma_start3A_15 : memref<1x48x256xf32, #tpu.memory_space<vmem>> -> memref<48x256xf32, #tpu.memory_space<vmem>>
    %dma_start3A_17 = arith.constant 48 : i32
    %dma_start3A_18 = tpu.memref_slice %arg5[%dma_start3A_17] : memref<144xi32, #tpu.memory_space<vmem>> -> memref<48xi32, #tpu.memory_space<vmem>>
    %dma_start3A_19 = arith.constant 0 : i32
    %dma_start3A_20 = arith.constant 0 : i32
    %dma_start3A_21 = tpu.memref_slice %arg2[%dma_start3A_19, %dma_start3A_20] : memref<1024x256xf32, #tpu.memory_space<hbm>> -> memref<1024x256xf32, #tpu.memory_space<hbm>>
    tpu.enqueue_indirect_dma source(%dma_start3A_21 : memref<1024x256xf32, #tpu.memory_space<hbm>>) target(%dma_start3A_16 : memref<48x256xf32, #tpu.memory_space<vmem>>) offsets(%dma_start3A_18 : memref<48xi32, #tpu.memory_space<vmem>>) semaphore(%arg8 : memref<!tpu.dma_semaphore, #tpu.memory_space<semaphore_mem>>)
    %dma_start3A_22 = arith.constant 2 : i32
    %dma_start3A_23 = arith.constant 0 : i32
    %dma_start3A_24 = arith.constant 0 : i32
    %dma_start3A_25 = tpu.memref_slice %arg6[%dma_start3A_22, %dma_start3A_23, %dma_start3A_24] : memref<3x48x256xf32, #tpu.memory_space<vmem>> -> memref<1x48x256xf32, #tpu.memory_space<vmem>>
    %dma_start3A_26 = tpu.memref_squeeze %dma_start3A_25 : memref<1x48x256xf32, #tpu.memory_space<vmem>> -> memref<48x256xf32, #tpu.memory_space<vmem>>
    %dma_start3A_27 = arith.constant 96 : i32
    %dma_start3A_28 = tpu.memref_slice %arg5[%dma_start3A_27] : memref<144xi32, #tpu.memory_space<vmem>> -> memref<48xi32, #tpu.memory_space<vmem>>
    %dma_start3A_29 = arith.constant 0 : i32
    %dma_start3A_30 = arith.constant 0 : i32
    %dma_start3A_31 = tpu.memref_slice %arg2[%dma_start3A_29, %dma_start3A_30] : memref<1024x256xf32, #tpu.memory_space<hbm>> -> memref<1024x256xf32, #tpu.memory_space<hbm>>
    tpu.enqueue_indirect_dma source(%dma_start3A_31 : memref<1024x256xf32, #tpu.memory_space<hbm>>) target(%dma_start3A_26 : memref<48x256xf32, #tpu.memory_space<vmem>>) offsets(%dma_start3A_28 : memref<48xi32, #tpu.memory_space<vmem>>) semaphore(%arg9 : memref<!tpu.dma_semaphore, #tpu.memory_space<semaphore_mem>>)
    %dma_wait3A = arith.constant 0 : i32
    %dma_wait3A_32 = arith.constant 0 : i32
    %dma_wait3A_33 = arith.constant 0 : i32
    %dma_wait3A_34 = tpu.memref_slice %arg6[%dma_wait3A, %dma_wait3A_32, %dma_wait3A_33] : memref<3x48x256xf32, #tpu.memory_space<vmem>> -> memref<1x48x256xf32, #tpu.memory_space<vmem>>
    %dma_wait3A_35 = tpu.memref_squeeze %dma_wait3A_34 : memref<1x48x256xf32, #tpu.memory_space<vmem>> -> memref<48x256xf32, #tpu.memory_space<vmem>>
    %dma_wait3A_36 = arith.constant 0 : i32
    %dma_wait3A_37 = tpu.memref_slice %arg5[%dma_wait3A_36] : memref<144xi32, #tpu.memory_space<vmem>> -> memref<48xi32, #tpu.memory_space<vmem>>
    %dma_wait3A_38 = arith.constant 0 : i32
    %dma_wait3A_39 = arith.constant 0 : i32
    %dma_wait3A_40 = tpu.memref_slice %arg2[%dma_wait3A_38, %dma_wait3A_39] : memref<1024x256xf32, #tpu.memory_space<hbm>> -> memref<1024x256xf32, #tpu.memory_space<hbm>>
    tpu.wait_indirect_dma semaphore(%arg7 : memref<!tpu.dma_semaphore, #tpu.memory_space<semaphore_mem>>) src(%dma_wait3A_40 : memref<1024x256xf32, #tpu.memory_space<hbm>>) dst(%dma_wait3A_35 : memref<48x256xf32, #tpu.memory_space<vmem>>)
    %add3A_41 = arith.constant 0 : i32
    %add3A_42 = arith.addi %mul3A_2, %add3A_41 : i32
    %dma_start3A_43 = arith.constant 0 : i32
    %dma_start3A_44 = arith.constant 0 : i32
    %dma_start3A_45 = arith.constant 0 : i32
    %dma_start3A_46 = tpu.memref_slice %arg6[%dma_start3A_43, %dma_start3A_44, %dma_start3A_45] : memref<3x48x256xf32, #tpu.memory_space<vmem>> -> memref<1x48x256xf32, #tpu.memory_space<vmem>>
    %dma_start3A_47 = tpu.memref_squeeze %dma_start3A_46 : memref<1x48x256xf32, #tpu.memory_space<vmem>> -> memref<48x256xf32, #tpu.memory_space<vmem>>
    %dma_start3A_48 = arith.constant 0 : i32
    %dma_start3A_49 = tpu.memref_slice %arg4[%add3A_42, %dma_start3A_48] : memref<4608x256xf32, #tpu.memory_space<hbm>> -> memref<48x256xf32, #tpu.memory_space<hbm>>
    %dma_start3A_50 = arith.constant 0 : i32
    %dma_start3A_51 = tpu.memref_slice %arg4[%add3A_42, %dma_start3A_50] : memref<4608x256xf32, #tpu.memory_space<hbm>> -> memref<48x256xf32, #tpu.memory_space<hbm>>
    %dma_start3A_52 = arith.constant 0 : i32
    %dma_start3A_53 = arith.constant 0 : i32
    %dma_start3A_54 = tpu.memref_slice %arg6[%dma_start3A_43, %dma_start3A_52, %dma_start3A_53] : memref<3x48x256xf32, #tpu.memory_space<vmem>> -> memref<1x48x256xf32, #tpu.memory_space<vmem>>
    %dma_start3A_55 = tpu.memref_squeeze %dma_start3A_54 : memref<1x48x256xf32, #tpu.memory_space<vmem>> -> memref<48x256xf32, #tpu.memory_space<vmem>>
    tpu.enqueue_dma source(%dma_start3A_55 : memref<48x256xf32, #tpu.memory_space<vmem>>) target(%dma_start3A_51 : memref<48x256xf32, #tpu.memory_space<hbm>>) target_semaphore(%arg10 : memref<!tpu.dma_semaphore, #tpu.memory_space<semaphore_mem>>)
    %dma_wait3A_56 = arith.constant 1 : i32
    %dma_wait3A_57 = arith.constant 0 : i32
    %dma_wait3A_58 = arith.constant 0 : i32
    %dma_wait3A_59 = tpu.memref_slice %arg6[%dma_wait3A_56, %dma_wait3A_57, %dma_wait3A_58] : memref<3x48x256xf32, #tpu.memory_space<vmem>> -> memref<1x48x256xf32, #tpu.memory_space<vmem>>
    %dma_wait3A_60 = tpu.memref_squeeze %dma_wait3A_59 : memref<1x48x256xf32, #tpu.memory_space<vmem>> -> memref<48x256xf32, #tpu.memory_space<vmem>>
    %dma_wait3A_61 = arith.constant 48 : i32
    %dma_wait3A_62 = tpu.memref_slice %arg5[%dma_wait3A_61] : memref<144xi32, #tpu.memory_space<vmem>> -> memref<48xi32, #tpu.memory_space<vmem>>
    %dma_wait3A_63 = arith.constant 0 : i32
    %dma_wait3A_64 = arith.constant 0 : i32
    %dma_wait3A_65 = tpu.memref_slice %arg2[%dma_wait3A_63, %dma_wait3A_64] : memref<1024x256xf32, #tpu.memory_space<hbm>> -> memref<1024x256xf32, #tpu.memory_space<hbm>>
    tpu.wait_indirect_dma semaphore(%arg8 : memref<!tpu.dma_semaphore, #tpu.memory_space<semaphore_mem>>) src(%dma_wait3A_65 : memref<1024x256xf32, #tpu.memory_space<hbm>>) dst(%dma_wait3A_60 : memref<48x256xf32, #tpu.memory_space<vmem>>)
    %add3A_66 = arith.constant 48 : i32
    %add3A_67 = arith.addi %mul3A_2, %add3A_66 : i32
    %dma_start3A_68 = arith.constant 1 : i32
    %dma_start3A_69 = arith.constant 0 : i32
    %dma_start3A_70 = arith.constant 0 : i32
    %dma_start3A_71 = tpu.memref_slice %arg6[%dma_start3A_68, %dma_start3A_69, %dma_start3A_70] : memref<3x48x256xf32, #tpu.memory_space<vmem>> -> memref<1x48x256xf32, #tpu.memory_space<vmem>>
    %dma_start3A_72 = tpu.memref_squeeze %dma_start3A_71 : memref<1x48x256xf32, #tpu.memory_space<vmem>> -> memref<48x256xf32, #tpu.memory_space<vmem>>
    %dma_start3A_73 = arith.constant 0 : i32
    %dma_start3A_74 = tpu.memref_slice %arg4[%add3A_67, %dma_start3A_73] : memref<4608x256xf32, #tpu.memory_space<hbm>> -> memref<48x256xf32, #tpu.memory_space<hbm>>
    %dma_start3A_75 = arith.constant 0 : i32
    %dma_start3A_76 = tpu.memref_slice %arg4[%add3A_67, %dma_start3A_75] : memref<4608x256xf32, #tpu.memory_space<hbm>> -> memref<48x256xf32, #tpu.memory_space<hbm>>
    %dma_start3A_77 = arith.constant 0 : i32
    %dma_start3A_78 = arith.constant 0 : i32
    %dma_start3A_79 = tpu.memref_slice %arg6[%dma_start3A_68, %dma_start3A_77, %dma_start3A_78] : memref<3x48x256xf32, #tpu.memory_space<vmem>> -> memref<1x48x256xf32, #tpu.memory_space<vmem>>
    %dma_start3A_80 = tpu.memref_squeeze %dma_start3A_79 : memref<1x48x256xf32, #tpu.memory_space<vmem>> -> memref<48x256xf32, #tpu.memory_space<vmem>>
    tpu.enqueue_dma source(%dma_start3A_80 : memref<48x256xf32, #tpu.memory_space<vmem>>) target(%dma_start3A_76 : memref<48x256xf32, #tpu.memory_space<hbm>>) target_semaphore(%arg10 : memref<!tpu.dma_semaphore, #tpu.memory_space<semaphore_mem>>)
    %dma_wait3A_81 = arith.constant 2 : i32
    %dma_wait3A_82 = arith.constant 0 : i32
    %dma_wait3A_83 = arith.constant 0 : i32
    %dma_wait3A_84 = tpu.memref_slice %arg6[%dma_wait3A_81, %dma_wait3A_82, %dma_wait3A_83] : memref<3x48x256xf32, #tpu.memory_space<vmem>> -> memref<1x48x256xf32, #tpu.memory_space<vmem>>
    %dma_wait3A_85 = tpu.memref_squeeze %dma_wait3A_84 : memref<1x48x256xf32, #tpu.memory_space<vmem>> -> memref<48x256xf32, #tpu.memory_space<vmem>>
    %dma_wait3A_86 = arith.constant 96 : i32
    %dma_wait3A_87 = tpu.memref_slice %arg5[%dma_wait3A_86] : memref<144xi32, #tpu.memory_space<vmem>> -> memref<48xi32, #tpu.memory_space<vmem>>
    %dma_wait3A_88 = arith.constant 0 : i32
    %dma_wait3A_89 = arith.constant 0 : i32
    %dma_wait3A_90 = tpu.memref_slice %arg2[%dma_wait3A_88, %dma_wait3A_89] : memref<1024x256xf32, #tpu.memory_space<hbm>> -> memref<1024x256xf32, #tpu.memory_space<hbm>>
    tpu.wait_indirect_dma semaphore(%arg9 : memref<!tpu.dma_semaphore, #tpu.memory_space<semaphore_mem>>) src(%dma_wait3A_90 : memref<1024x256xf32, #tpu.memory_space<hbm>>) dst(%dma_wait3A_85 : memref<48x256xf32, #tpu.memory_space<vmem>>)
    %add3A_91 = arith.constant 96 : i32
    %add3A_92 = arith.addi %mul3A_2, %add3A_91 : i32
    %dma_start3A_93 = arith.constant 2 : i32
    %dma_start3A_94 = arith.constant 0 : i32
    %dma_start3A_95 = arith.constant 0 : i32
    %dma_start3A_96 = tpu.memref_slice %arg6[%dma_start3A_93, %dma_start3A_94, %dma_start3A_95] : memref<3x48x256xf32, #tpu.memory_space<vmem>> -> memref<1x48x256xf32, #tpu.memory_space<vmem>>
    %dma_start3A_97 = tpu.memref_squeeze %dma_start3A_96 : memref<1x48x256xf32, #tpu.memory_space<vmem>> -> memref<48x256xf32, #tpu.memory_space<vmem>>
    %dma_start3A_98 = arith.constant 0 : i32
    %dma_start3A_99 = tpu.memref_slice %arg4[%add3A_92, %dma_start3A_98] : memref<4608x256xf32, #tpu.memory_space<hbm>> -> memref<48x256xf32, #tpu.memory_space<hbm>>
    %dma_start3A_100 = arith.constant 0 : i32
    %dma_start3A_101 = tpu.memref_slice %arg4[%add3A_92, %dma_start3A_100] : memref<4608x256xf32, #tpu.memory_space<hbm>> -> memref<48x256xf32, #tpu.memory_space<hbm>>
    %dma_start3A_102 = arith.constant 0 : i32
    %dma_start3A_103 = arith.constant 0 : i32
    %dma_start3A_104 = tpu.memref_slice %arg6[%dma_start3A_93, %dma_start3A_102, %dma_start3A_103] : memref<3x48x256xf32, #tpu.memory_space<vmem>> -> memref<1x48x256xf32, #tpu.memory_space<vmem>>
    %dma_start3A_105 = tpu.memref_squeeze %dma_start3A_104 : memref<1x48x256xf32, #tpu.memory_space<vmem>> -> memref<48x256xf32, #tpu.memory_space<vmem>>
    tpu.enqueue_dma source(%dma_start3A_105 : memref<48x256xf32, #tpu.memory_space<vmem>>) target(%dma_start3A_101 : memref<48x256xf32, #tpu.memory_space<hbm>>) target_semaphore(%arg10 : memref<!tpu.dma_semaphore, #tpu.memory_space<semaphore_mem>>)
    %dma_wait3A_106 = arith.constant 0 : i32
    %dma_wait3A_107 = arith.constant 0 : i32
    %dma_wait3A_108 = arith.constant 0 : i32
    %dma_wait3A_109 = tpu.memref_slice %arg6[%dma_wait3A_106, %dma_wait3A_107, %dma_wait3A_108] : memref<3x48x256xf32, #tpu.memory_space<vmem>> -> memref<1x48x256xf32, #tpu.memory_space<vmem>>
    %dma_wait3A_110 = tpu.memref_squeeze %dma_wait3A_109 : memref<1x48x256xf32, #tpu.memory_space<vmem>> -> memref<48x256xf32, #tpu.memory_space<vmem>>
    %dma_wait3A_111 = arith.constant 0 : i32
    %dma_wait3A_112 = tpu.memref_slice %arg4[%add3A_42, %dma_wait3A_111] : memref<4608x256xf32, #tpu.memory_space<hbm>> -> memref<48x256xf32, #tpu.memory_space<hbm>>
    %dma_wait3A_113 = arith.constant 0 : i32
    %dma_wait3A_114 = tpu.memref_slice %arg4[%add3A_42, %dma_wait3A_113] : memref<4608x256xf32, #tpu.memory_space<hbm>> -> memref<48x256xf32, #tpu.memory_space<hbm>>
    %dma_wait3A_115 = arith.constant 0 : i32
    %dma_wait3A_116 = arith.constant 0 : i32
    %dma_wait3A_117 = tpu.memref_slice %arg6[%dma_wait3A_106, %dma_wait3A_115, %dma_wait3A_116] : memref<3x48x256xf32, #tpu.memory_space<vmem>> -> memref<1x48x256xf32, #tpu.memory_space<vmem>>
    %dma_wait3A_118 = tpu.memref_squeeze %dma_wait3A_117 : memref<1x48x256xf32, #tpu.memory_space<vmem>> -> memref<48x256xf32, #tpu.memory_space<vmem>>
    tpu.wait_dma2 semaphore(%arg10 : memref<!tpu.dma_semaphore, #tpu.memory_space<semaphore_mem>>) src(%dma_wait3A_118 : memref<48x256xf32, #tpu.memory_space<vmem>>) dst(%dma_wait3A_114 : memref<48x256xf32, #tpu.memory_space<hbm>>)
    %dma_wait3A_119 = arith.constant 1 : i32
    %dma_wait3A_120 = arith.constant 0 : i32
    %dma_wait3A_121 = arith.constant 0 : i32
    %dma_wait3A_122 = tpu.memref_slice %arg6[%dma_wait3A_119, %dma_wait3A_120, %dma_wait3A_121] : memref<3x48x256xf32, #tpu.memory_space<vmem>> -> memref<1x48x256xf32, #tpu.memory_space<vmem>>
    %dma_wait3A_123 = tpu.memref_squeeze %dma_wait3A_122 : memref<1x48x256xf32, #tpu.memory_space<vmem>> -> memref<48x256xf32, #tpu.memory_space<vmem>>
    %dma_wait3A_124 = arith.constant 0 : i32
    %dma_wait3A_125 = tpu.memref_slice %arg4[%add3A_67, %dma_wait3A_124] : memref<4608x256xf32, #tpu.memory_space<hbm>> -> memref<48x256xf32, #tpu.memory_space<hbm>>
    %dma_wait3A_126 = arith.constant 0 : i32
    %dma_wait3A_127 = tpu.memref_slice %arg4[%add3A_67, %dma_wait3A_126] : memref<4608x256xf32, #tpu.memory_space<hbm>> -> memref<48x256xf32, #tpu.memory_space<hbm>>
    %dma_wait3A_128 = arith.constant 0 : i32
    %dma_wait3A_129 = arith.constant 0 : i32
    %dma_wait3A_130 = tpu.memref_slice %arg6[%dma_wait3A_119, %dma_wait3A_128, %dma_wait3A_129] : memref<3x48x256xf32, #tpu.memory_space<vmem>> -> memref<1x48x256xf32, #tpu.memory_space<vmem>>
    %dma_wait3A_131 = tpu.memref_squeeze %dma_wait3A_130 : memref<1x48x256xf32, #tpu.memory_space<vmem>> -> memref<48x256xf32, #tpu.memory_space<vmem>>
    tpu.wait_dma2 semaphore(%arg10 : memref<!tpu.dma_semaphore, #tpu.memory_space<semaphore_mem>>) src(%dma_wait3A_131 : memref<48x256xf32, #tpu.memory_space<vmem>>) dst(%dma_wait3A_127 : memref<48x256xf32, #tpu.memory_space<hbm>>)
    %dma_wait3A_132 = arith.constant 2 : i32
    %dma_wait3A_133 = arith.constant 0 : i32
    %dma_wait3A_134 = arith.constant 0 : i32
    %dma_wait3A_135 = tpu.memref_slice %arg6[%dma_wait3A_132, %dma_wait3A_133, %dma_wait3A_134] : memref<3x48x256xf32, #tpu.memory_space<vmem>> -> memref<1x48x256xf32, #tpu.memory_space<vmem>>
    %dma_wait3A_136 = tpu.memref_squeeze %dma_wait3A_135 : memref<1x48x256xf32, #tpu.memory_space<vmem>> -> memref<48x256xf32, #tpu.memory_space<vmem>>
    %dma_wait3A_137 = arith.constant 0 : i32
    %dma_wait3A_138 = tpu.memref_slice %arg4[%add3A_92, %dma_wait3A_137] : memref<4608x256xf32, #tpu.memory_space<hbm>> -> memref<48x256xf32, #tpu.memory_space<hbm>>
    %dma_wait3A_139 = arith.constant 0 : i32
    %dma_wait3A_140 = tpu.memref_slice %arg4[%add3A_92, %dma_wait3A_139] : memref<4608x256xf32, #tpu.memory_space<hbm>> -> memref<48x256xf32, #tpu.memory_space<hbm>>
    %dma_wait3A_141 = arith.constant 0 : i32
    %dma_wait3A_142 = arith.constant 0 : i32
    %dma_wait3A_143 = tpu.memref_slice %arg6[%dma_wait3A_132, %dma_wait3A_141, %dma_wait3A_142] : memref<3x48x256xf32, #tpu.memory_space<vmem>> -> memref<1x48x256xf32, #tpu.memory_space<vmem>>
    %dma_wait3A_144 = tpu.memref_squeeze %dma_wait3A_143 : memref<1x48x256xf32, #tpu.memory_space<vmem>> -> memref<48x256xf32, #tpu.memory_space<vmem>>
    tpu.wait_dma2 semaphore(%arg10 : memref<!tpu.dma_semaphore, #tpu.memory_space<semaphore_mem>>) src(%dma_wait3A_144 : memref<48x256xf32, #tpu.memory_space<vmem>>) dst(%dma_wait3A_140 : memref<48x256xf32, #tpu.memory_space<hbm>>)
    return
  }
}

module attributes {stable_mosaic.version = 14 : i64} {
  func.func @_argmin_loss_body(%arg0: i32, %arg1: memref<4x576x256xf32, #tpu.memory_space<vmem>>, %arg2: memref<1024x256xf32, #tpu.memory_space<vmem>>, %arg3: memref<9216xf32, #tpu.memory_space<vmem>>, %arg4: memref<1x1024xf32, #tpu.memory_space<vmem>>, %arg5: memref<4608xi32, #tpu.memory_space<vmem>>, %arg6: memref<8xf32, #tpu.memory_space<smem>>) attributes {dimension_semantics = [#tpu.dimension_semantics<arbitrary>], iteration_bounds = array<i64: 2>, scalar_prefetch = 0 : i64, scratch_operands = 0 : i64, tpu.core_type = #tpu.core_type<tc>, window_params = [{transform_indices = @transform_0, window_bounds = array<i64: 4, 576, 256>}, {pipeline_mode = #tpu.pipeline_mode<synchronous>, transform_indices = @transform_1, window_bounds = array<i64: 1024, 256>}, {pipeline_mode = #tpu.pipeline_mode<synchronous>, transform_indices = @transform_2, window_bounds = array<i64: 9216>}, {pipeline_mode = #tpu.pipeline_mode<synchronous>, transform_indices = @transform_3, window_bounds = array<i64: 1, 1024>}, {pipeline_mode = #tpu.pipeline_mode<synchronous>, transform_indices = @transform_4, window_bounds = array<i64: 4608>}, {transform_indices = @transform_5, window_bounds = array<i64: 8>}]} {
    %get3A = arith.constant 0 : index
    %get3A_0 = arith.constant 0 : index
    %get3A_1 = arith.constant 0 : index
    %get3A_2 = vector.load %arg1[%get3A, %get3A_0, %get3A_1] : memref<4x576x256xf32, #tpu.memory_space<vmem>>, vector<4x576x256xf32>
    %reshape3A = vector.shape_cast %get3A_2 : vector<4x576x256xf32> to vector<2304x256xf32>
    %get3A_3 = arith.constant 0 : index
    %get3A_4 = arith.constant 0 : index
    %get3A_5 = vector.load %arg2[%get3A_3, %get3A_4] : memref<1024x256xf32, #tpu.memory_space<vmem>>, vector<1024x256xf32>
    %dot_general3A = arith.constant dense<0.000000e+00> : vector<2304x1024xf32>
    %dot_general3A_6 = tpu.matmul %reshape3A, %get3A_5, %dot_general3A {dimension_numbers = #tpu.dot_dimension_numbers<[1], [1], [0], [0], [0, 0, 1, 0], [], []>, transpose_lhs_hint = false} : vector<2304x256xf32>, vector<1024x256xf32>, vector<2304x1024xf32> -> vector<2304x1024xf32>
    %add3A = arith.constant 0 : i32
    %add3A_7 = arith.addi %arg0, %add3A : i32
    %mul3A = arith.constant 2304 : i32
    %mul3A_8 = arith.muli %add3A_7, %mul3A : i32
    %get3A_9 = arith.index_cast %mul3A_8 : i32 to index
    %get3A_10 = vector.load %arg3[%get3A_9] : memref<9216xf32, #tpu.memory_space<vmem>>, vector<2304xf32>
    %reshape3A_11 = vector.shape_cast %get3A_10 : vector<2304xf32> to vector<2304x1xf32>
    %get3A_12 = arith.constant 0 : index
    %get3A_13 = arith.constant 0 : index
    %get3A_14 = vector.load %arg4[%get3A_12, %get3A_13] : memref<1x1024xf32, #tpu.memory_space<vmem>>, vector<1x1024xf32>
    %add3A_15 = vector.broadcast %reshape3A_11 : vector<2304x1xf32> to vector<2304x1024xf32>
    %add3A_16 = vector.broadcast %get3A_14 : vector<1x1024xf32> to vector<2304x1024xf32>
    %add3A_17 = arith.addf %add3A_15, %add3A_16 : vector<2304x1024xf32>
    %mul3A_18 = arith.constant 2.000000e+00 : f32
    %mul3A_19 = vector.broadcast %mul3A_18 : f32 to vector<2304x1024xf32>
    %mul3A_20 = arith.mulf %mul3A_19, %dot_general3A_6 : vector<2304x1024xf32>
    %sub3A = arith.subf %add3A_17, %mul3A_20 : vector<2304x1024xf32>
    %reduce_min3A = arith.constant dense<0x7F800000> : vector<2304xf32>
    %reduce_min3A_21 = vector.multi_reduction <minimumf>, %sub3A, %reduce_min3A [1] : vector<2304x1024xf32> to vector<2304xf32>
    %broadcast_in_dim3A = vector.shape_cast %reduce_min3A_21 : vector<2304xf32> to vector<2304x1xf32>
    %eq3A = vector.broadcast %broadcast_in_dim3A : vector<2304x1xf32> to vector<2304x1024xf32>
    %eq3A_22 = arith.cmpf oeq, %sub3A, %eq3A : vector<2304x1024xf32>
    %iota3A = tpu.iota {dimensions = array<i32: 1>} : vector<2304x1024xi32>
    %convert_element_type3A = arith.sitofp %iota3A : vector<2304x1024xi32> to vector<2304x1024xf32>
    %jit3A = arith.constant 1.024000e+03 : f32
    %broadcast_in_dim3A_23 = vector.broadcast %jit3A : f32 to vector<2304x1024xf32>
    %select_n3A = arith.select %eq3A_22, %convert_element_type3A, %broadcast_in_dim3A_23 : vector<2304x1024xi1>, vector<2304x1024xf32>
    %reduce_min3A_24 = arith.constant dense<0x7F800000> : vector<2304xf32>
    %reduce_min3A_25 = vector.multi_reduction <minimumf>, %select_n3A, %reduce_min3A_24 [1] : vector<2304x1024xf32> to vector<2304xf32>
    %broadcast_in_dim3A_26 = vector.shape_cast %reduce_min3A_25 : vector<2304xf32> to vector<2304x1xf32>
    %squeeze3A = vector.shape_cast %broadcast_in_dim3A_26 : vector<2304x1xf32> to vector<2304xf32>
    %convert_element_type3A_27 = arith.fptosi %squeeze3A : vector<2304xf32> to vector<2304xi32>
    %mul3A_28 = arith.constant 2304 : i32
    %mul3A_29 = arith.muli %arg0, %mul3A_28 : i32
    %swap3A = arith.index_cast %mul3A_29 : i32 to index
    %swap3A_30 = vector.load %arg5[%swap3A] : memref<4608xi32, #tpu.memory_space<vmem>>, vector<2304xi32>
    tpu.vector_store %arg5[%swap3A], %convert_element_type3A_27 {strides = array<i32>} : memref<4608xi32, #tpu.memory_space<vmem>>, vector<2304xi32>,
    %eq3A_31 = vector.broadcast %broadcast_in_dim3A_26 : vector<2304x1xf32> to vector<2304x1024xf32>
    %eq3A_32 = arith.cmpf oeq, %convert_element_type3A, %eq3A_31 : vector<2304x1024xf32>
    %convert_element_type3A_33 = arith.extui %eq3A_32 : vector<2304x1024xi1> to vector<2304x1024xi32>
    %convert_element_type3A_34 = arith.sitofp %convert_element_type3A_33 : vector<2304x1024xi32> to vector<2304x1024xf32>
    %dot_general3A_35 = arith.constant dense<0.000000e+00> : vector<2304x1xf32>
    %dot_general3A_36 = tpu.matmul %convert_element_type3A_34, %get3A_14, %dot_general3A_35 {dimension_numbers = #tpu.dot_dimension_numbers<[1], [1], [0], [0], [0, 0, 1, 0], [], []>, transpose_lhs_hint = false} : vector<2304x1024xf32>, vector<1x1024xf32>, vector<2304x1xf32> -> vector<2304x1xf32>
    %add3A_37 = arith.addf %reshape3A_11, %dot_general3A_36 : vector<2304x1xf32>
    %sub3A_38 = arith.subf %add3A_37, %broadcast_in_dim3A : vector<2304x1xf32>
    %mul3A_39 = arith.constant 5.000000e-01 : f32
    %mul3A_40 = vector.broadcast %mul3A_39 : f32 to vector<2304x1xf32>
    %mul3A_41 = arith.mulf %mul3A_40, %sub3A_38 : vector<2304x1xf32>
    %sqrt3A = math.sqrt %reshape3A_11 : vector<2304x1xf32>
    %max3A = arith.constant 9.99999974E-6 : f32
    %max3A_42 = vector.broadcast %max3A : f32 to vector<2304x1xf32>
    %max3A_43 = arith.maximumf %sqrt3A, %max3A_42 : vector<2304x1xf32>
    %sqrt3A_44 = math.sqrt %dot_general3A_36 : vector<2304x1xf32>
    %max3A_45 = arith.constant 9.99999974E-6 : f32
    %max3A_46 = vector.broadcast %max3A_45 : f32 to vector<2304x1xf32>
    %max3A_47 = arith.maximumf %sqrt3A_44, %max3A_46 : vector<2304x1xf32>
    %mul3A_48 = arith.mulf %max3A_47, %max3A_47 : vector<2304x1xf32>
    %div3A = arith.divf %dot_general3A_36, %mul3A_48 : vector<2304x1xf32>
    %mul3A_49 = arith.mulf %max3A_43, %max3A_43 : vector<2304x1xf32>
    %div3A_50 = arith.divf %reshape3A_11, %mul3A_49 : vector<2304x1xf32>
    %add3A_51 = arith.addf %div3A, %div3A_50 : vector<2304x1xf32>
    %mul3A_52 = arith.constant 2.000000e+00 : f32
    %mul3A_53 = vector.broadcast %mul3A_52 : f32 to vector<2304x1xf32>
    %mul3A_54 = arith.mulf %mul3A_53, %mul3A_41 : vector<2304x1xf32>
    %mul3A_55 = arith.mulf %max3A_47, %max3A_43 : vector<2304x1xf32>
    %div3A_56 = arith.divf %mul3A_54, %mul3A_55 : vector<2304x1xf32>
    %sub3A_57 = arith.subf %add3A_51, %div3A_56 : vector<2304x1xf32>
    %reshape3A_58 = vector.shape_cast %sub3A_57 : vector<2304x1xf32> to vector<4x576xf32>
    %slice3A = vector.extract_strided_slice %reshape3A_58 {offsets = [0, 0], sizes = [1, 576], strides = [1, 1]} : vector<4x576xf32> to vector<1x576xf32>
    %squeeze3A_59 = vector.shape_cast %slice3A : vector<1x576xf32> to vector<576xf32>
    %reduce_sum3A = vector.shape_cast %squeeze3A_59 : vector<576xf32> to vector<1x576xf32>
    %reduce_sum3A_60 = arith.constant dense<0.000000e+00> : vector<1xf32>
    %reduce_sum3A_61 = vector.multi_reduction <add>, %reduce_sum3A, %reduce_sum3A_60 [1] : vector<1x576xf32> to vector<1xf32>
    %reduce_sum3A_62 = vector.shape_cast %reduce_sum3A_61 : vector<1xf32> to vector<1x1xf32>
    %reduce_sum3A_63 = vector.extract %reduce_sum3A_62[0, 0] : f32 from vector<1x1xf32>
    %div3A_64 = arith.constant 1.474560e+05 : f32
    %div3A_65 = arith.divf %reduce_sum3A_63, %div3A_64 : f32
    %mul3A_66 = arith.constant 4 : i32
    %mul3A_67 = arith.muli %arg0, %mul3A_66 : i32
    %add3A_68 = arith.constant 0 : i32
    %add3A_69 = arith.addi %mul3A_67, %add3A_68 : i32
    %swap3A_70 = arith.index_cast %add3A_69 : i32 to index
    %swap3A_71 = memref.load %arg6[%swap3A_70] : memref<8xf32, #tpu.memory_space<smem>>
    memref.store %div3A_65, %arg6[%swap3A_70] : memref<8xf32, #tpu.memory_space<smem>>
    %slice3A_72 = vector.extract_strided_slice %reshape3A_58 {offsets = [1, 0], sizes = [1, 576], strides = [1, 1]} : vector<4x576xf32> to vector<1x576xf32>
    %squeeze3A_73 = vector.shape_cast %slice3A_72 : vector<1x576xf32> to vector<576xf32>
    %reduce_sum3A_74 = vector.shape_cast %squeeze3A_73 : vector<576xf32> to vector<1x576xf32>
    %reduce_sum3A_75 = arith.constant dense<0.000000e+00> : vector<1xf32>
    %reduce_sum3A_76 = vector.multi_reduction <add>, %reduce_sum3A_74, %reduce_sum3A_75 [1] : vector<1x576xf32> to vector<1xf32>
    %reduce_sum3A_77 = vector.shape_cast %reduce_sum3A_76 : vector<1xf32> to vector<1x1xf32>
    %reduce_sum3A_78 = vector.extract %reduce_sum3A_77[0, 0] : f32 from vector<1x1xf32>
    %div3A_79 = arith.constant 1.474560e+05 : f32
    %div3A_80 = arith.divf %reduce_sum3A_78, %div3A_79 : f32
    %mul3A_81 = arith.constant 4 : i32
    %mul3A_82 = arith.muli %arg0, %mul3A_81 : i32
    %add3A_83 = arith.constant 1 : i32
    %add3A_84 = arith.addi %mul3A_82, %add3A_83 : i32
    %swap3A_85 = arith.index_cast %add3A_84 : i32 to index
    %swap3A_86 = memref.load %arg6[%swap3A_85] : memref<8xf32, #tpu.memory_space<smem>>
    memref.store %div3A_80, %arg6[%swap3A_85] : memref<8xf32, #tpu.memory_space<smem>>
    %slice3A_87 = vector.extract_strided_slice %reshape3A_58 {offsets = [2, 0], sizes = [1, 576], strides = [1, 1]} : vector<4x576xf32> to vector<1x576xf32>
    %squeeze3A_88 = vector.shape_cast %slice3A_87 : vector<1x576xf32> to vector<576xf32>
    %reduce_sum3A_89 = vector.shape_cast %squeeze3A_88 : vector<576xf32> to vector<1x576xf32>
    %reduce_sum3A_90 = arith.constant dense<0.000000e+00> : vector<1xf32>
    %reduce_sum3A_91 = vector.multi_reduction <add>, %reduce_sum3A_89, %reduce_sum3A_90 [1] : vector<1x576xf32> to vector<1xf32>
    %reduce_sum3A_92 = vector.shape_cast %reduce_sum3A_91 : vector<1xf32> to vector<1x1xf32>
    %reduce_sum3A_93 = vector.extract %reduce_sum3A_92[0, 0] : f32 from vector<1x1xf32>
    %div3A_94 = arith.constant 1.474560e+05 : f32
    %div3A_95 = arith.divf %reduce_sum3A_93, %div3A_94 : f32
    %mul3A_96 = arith.constant 4 : i32
    %mul3A_97 = arith.muli %arg0, %mul3A_96 : i32
    %add3A_98 = arith.constant 2 : i32
    %add3A_99 = arith.addi %mul3A_97, %add3A_98 : i32
    %swap3A_100 = arith.index_cast %add3A_99 : i32 to index
    %swap3A_101 = memref.load %arg6[%swap3A_100] : memref<8xf32, #tpu.memory_space<smem>>
    memref.store %div3A_95, %arg6[%swap3A_100] : memref<8xf32, #tpu.memory_space<smem>>
    %slice3A_102 = vector.extract_strided_slice %reshape3A_58 {offsets = [3, 0], sizes = [1, 576], strides = [1, 1]} : vector<4x576xf32> to vector<1x576xf32>
    %squeeze3A_103 = vector.shape_cast %slice3A_102 : vector<1x576xf32> to vector<576xf32>
    %reduce_sum3A_104 = vector.shape_cast %squeeze3A_103 : vector<576xf32> to vector<1x576xf32>
    %reduce_sum3A_105 = arith.constant dense<0.000000e+00> : vector<1xf32>
    %reduce_sum3A_106 = vector.multi_reduction <add>, %reduce_sum3A_104, %reduce_sum3A_105 [1] : vector<1x576xf32> to vector<1xf32>
    %reduce_sum3A_107 = vector.shape_cast %reduce_sum3A_106 : vector<1xf32> to vector<1x1xf32>
    %reduce_sum3A_108 = vector.extract %reduce_sum3A_107[0, 0] : f32 from vector<1x1xf32>
    %div3A_109 = arith.constant 1.474560e+05 : f32
    %div3A_110 = arith.divf %reduce_sum3A_108, %div3A_109 : f32
    %mul3A_111 = arith.constant 4 : i32
    %mul3A_112 = arith.muli %arg0, %mul3A_111 : i32
    %add3A_113 = arith.constant 3 : i32
    %add3A_114 = arith.addi %mul3A_112, %add3A_113 : i32
    %swap3A_115 = arith.index_cast %add3A_114 : i32 to index
    %swap3A_116 = memref.load %arg6[%swap3A_115] : memref<8xf32, #tpu.memory_space<smem>>
    memref.store %div3A_110, %arg6[%swap3A_115] : memref<8xf32, #tpu.memory_space<smem>>
    return
  }
  func.func @transform_0(%arg0: i32) -> (i32, i32, i32) {
    %add3A = arith.constant 0 : i32
    %add3A_0 = arith.addi %arg0, %add3A : i32
    %c0_i32 = arith.constant 0 : i32
    %c0_i32_1 = arith.constant 0 : i32
    %c0_i32_2 = arith.constant 0 : i32
    return %add3A_0, %c0_i32, %c0_i32_1 : i32, i32, i32
  }
  func.func @transform_1(%arg0: i32) -> (i32, i32) {
    %c0_i32 = arith.constant 0 : i32
    %c0_i32_0 = arith.constant 0 : i32
    %c0_i32_1 = arith.constant 0 : i32
    return %c0_i32, %c0_i32_0 : i32, i32
  }
  func.func @transform_2(%arg0: i32) -> i32 {
    %c0_i32 = arith.constant 0 : i32
    %c0_i32_0 = arith.constant 0 : i32
    return %c0_i32 : i32
  }
  func.func @transform_3(%arg0: i32) -> (i32, i32) {
    %c0_i32 = arith.constant 0 : i32
    %c0_i32_0 = arith.constant 0 : i32
    %c0_i32_1 = arith.constant 0 : i32
    return %c0_i32, %c0_i32_0 : i32, i32
  }
  func.func @transform_4(%arg0: i32) -> i32 {
    %c0_i32 = arith.constant 0 : i32
    %c0_i32_0 = arith.constant 0 : i32
    return %c0_i32 : i32
  }
  func.func @transform_5(%arg0: i32) -> i32 {
    %c0_i32 = arith.constant 0 : i32
    %c0_i32_0 = arith.constant 0 : i32
    return %c0_i32 : i32
  }
}

module attributes {stable_mosaic.version = 14 : i64} {
  func.func @_argmin_loss_body(%arg0: i32, %arg1: memref<4x576x256xf32, #tpu.memory_space<vmem>>, %arg2: memref<1024x256xf32, #tpu.memory_space<vmem>>, %arg3: memref<9216xf32, #tpu.memory_space<vmem>>, %arg4: memref<1x1024xf32, #tpu.memory_space<vmem>>, %arg5: memref<4608xi32, #tpu.memory_space<vmem>>, %arg6: memref<8xf32, #tpu.memory_space<smem>>, %arg7: memref<4x576x256xf32, #tpu.memory_space<vmem>>) attributes {dimension_semantics = [#tpu.dimension_semantics<arbitrary>], iteration_bounds = array<i64: 2>, scalar_prefetch = 0 : i64, scratch_operands = 0 : i64, tpu.core_type = #tpu.core_type<tc>, window_params = [{transform_indices = @transform_0, window_bounds = array<i64: 4, 576, 256>}, {pipeline_mode = #tpu.pipeline_mode<synchronous>, transform_indices = @transform_1, window_bounds = array<i64: 1024, 256>}, {pipeline_mode = #tpu.pipeline_mode<synchronous>, transform_indices = @transform_2, window_bounds = array<i64: 9216>}, {pipeline_mode = #tpu.pipeline_mode<synchronous>, transform_indices = @transform_3, window_bounds = array<i64: 1, 1024>}, {pipeline_mode = #tpu.pipeline_mode<synchronous>, transform_indices = @transform_4, window_bounds = array<i64: 4608>}, {transform_indices = @transform_5, window_bounds = array<i64: 8>}, {transform_indices = @transform_6, window_bounds = array<i64: 4, 576, 256>}]} {
    %get3A = arith.constant 0 : index
    %get3A_0 = arith.constant 0 : index
    %get3A_1 = arith.constant 0 : index
    %get3A_2 = vector.load %arg1[%get3A, %get3A_0, %get3A_1] : memref<4x576x256xf32, #tpu.memory_space<vmem>>, vector<4x576x256xf32>
    %reshape3A = vector.shape_cast %get3A_2 : vector<4x576x256xf32> to vector<2304x256xf32>
    %get3A_3 = arith.constant 0 : index
    %get3A_4 = arith.constant 0 : index
    %get3A_5 = vector.load %arg2[%get3A_3, %get3A_4] : memref<1024x256xf32, #tpu.memory_space<vmem>>, vector<1024x256xf32>
    %dot_general3A = arith.constant dense<0.000000e+00> : vector<2304x1024xf32>
    %dot_general3A_6 = tpu.matmul %reshape3A, %get3A_5, %dot_general3A {dimension_numbers = #tpu.dot_dimension_numbers<[1], [1], [0], [0], [0, 0, 1, 0], [], []>, transpose_lhs_hint = false} : vector<2304x256xf32>, vector<1024x256xf32>, vector<2304x1024xf32> -> vector<2304x1024xf32>
    %add3A = arith.constant 2 : i32
    %add3A_7 = arith.addi %arg0, %add3A : i32
    %mul3A = arith.constant 2304 : i32
    %mul3A_8 = arith.muli %add3A_7, %mul3A : i32
    %get3A_9 = arith.index_cast %mul3A_8 : i32 to index
    %get3A_10 = vector.load %arg3[%get3A_9] : memref<9216xf32, #tpu.memory_space<vmem>>, vector<2304xf32>
    %reshape3A_11 = vector.shape_cast %get3A_10 : vector<2304xf32> to vector<2304x1xf32>
    %get3A_12 = arith.constant 0 : index
    %get3A_13 = arith.constant 0 : index
    %get3A_14 = vector.load %arg4[%get3A_12, %get3A_13] : memref<1x1024xf32, #tpu.memory_space<vmem>>, vector<1x1024xf32>
    %add3A_15 = vector.broadcast %reshape3A_11 : vector<2304x1xf32> to vector<2304x1024xf32>
    %add3A_16 = vector.broadcast %get3A_14 : vector<1x1024xf32> to vector<2304x1024xf32>
    %add3A_17 = arith.addf %add3A_15, %add3A_16 : vector<2304x1024xf32>
    %mul3A_18 = arith.constant 2.000000e+00 : f32
    %mul3A_19 = vector.broadcast %mul3A_18 : f32 to vector<2304x1024xf32>
    %mul3A_20 = arith.mulf %mul3A_19, %dot_general3A_6 : vector<2304x1024xf32>
    %sub3A = arith.subf %add3A_17, %mul3A_20 : vector<2304x1024xf32>
    %reduce_min3A = arith.constant dense<0x7F800000> : vector<2304xf32>
    %reduce_min3A_21 = vector.multi_reduction <minimumf>, %sub3A, %reduce_min3A [1] : vector<2304x1024xf32> to vector<2304xf32>
    %broadcast_in_dim3A = vector.shape_cast %reduce_min3A_21 : vector<2304xf32> to vector<2304x1xf32>
    %eq3A = vector.broadcast %broadcast_in_dim3A : vector<2304x1xf32> to vector<2304x1024xf32>
    %eq3A_22 = arith.cmpf oeq, %sub3A, %eq3A : vector<2304x1024xf32>
    %iota3A = tpu.iota {dimensions = array<i32: 1>} : vector<2304x1024xi32>
    %convert_element_type3A = arith.sitofp %iota3A : vector<2304x1024xi32> to vector<2304x1024xf32>
    %jit3A = arith.constant 1.024000e+03 : f32
    %broadcast_in_dim3A_23 = vector.broadcast %jit3A : f32 to vector<2304x1024xf32>
    %select_n3A = arith.select %eq3A_22, %convert_element_type3A, %broadcast_in_dim3A_23 : vector<2304x1024xi1>, vector<2304x1024xf32>
    %reduce_min3A_24 = arith.constant dense<0x7F800000> : vector<2304xf32>
    %reduce_min3A_25 = vector.multi_reduction <minimumf>, %select_n3A, %reduce_min3A_24 [1] : vector<2304x1024xf32> to vector<2304xf32>
    %broadcast_in_dim3A_26 = vector.shape_cast %reduce_min3A_25 : vector<2304xf32> to vector<2304x1xf32>
    %squeeze3A = vector.shape_cast %broadcast_in_dim3A_26 : vector<2304x1xf32> to vector<2304xf32>
    %convert_element_type3A_27 = arith.fptosi %squeeze3A : vector<2304xf32> to vector<2304xi32>
    %mul3A_28 = arith.constant 2304 : i32
    %mul3A_29 = arith.muli %arg0, %mul3A_28 : i32
    %swap3A = arith.index_cast %mul3A_29 : i32 to index
    %swap3A_30 = vector.load %arg5[%swap3A] : memref<4608xi32, #tpu.memory_space<vmem>>, vector<2304xi32>
    tpu.vector_store %arg5[%swap3A], %convert_element_type3A_27 {strides = array<i32>} : memref<4608xi32, #tpu.memory_space<vmem>>, vector<2304xi32>,
    %eq3A_31 = vector.broadcast %broadcast_in_dim3A_26 : vector<2304x1xf32> to vector<2304x1024xf32>
    %eq3A_32 = arith.cmpf oeq, %convert_element_type3A, %eq3A_31 : vector<2304x1024xf32>
    %convert_element_type3A_33 = arith.extui %eq3A_32 : vector<2304x1024xi1> to vector<2304x1024xi32>
    %convert_element_type3A_34 = arith.sitofp %convert_element_type3A_33 : vector<2304x1024xi32> to vector<2304x1024xf32>
    %dot_general3A_35 = arith.constant dense<0.000000e+00> : vector<2304x1xf32>
    %dot_general3A_36 = tpu.matmul %convert_element_type3A_34, %get3A_14, %dot_general3A_35 {dimension_numbers = #tpu.dot_dimension_numbers<[1], [1], [0], [0], [0, 0, 1, 0], [], []>, transpose_lhs_hint = false} : vector<2304x1024xf32>, vector<1x1024xf32>, vector<2304x1xf32> -> vector<2304x1xf32>
    %add3A_37 = arith.addf %reshape3A_11, %dot_general3A_36 : vector<2304x1xf32>
    %sub3A_38 = arith.subf %add3A_37, %broadcast_in_dim3A : vector<2304x1xf32>
    %mul3A_39 = arith.constant 5.000000e-01 : f32
    %mul3A_40 = vector.broadcast %mul3A_39 : f32 to vector<2304x1xf32>
    %mul3A_41 = arith.mulf %mul3A_40, %sub3A_38 : vector<2304x1xf32>
    %sqrt3A = math.sqrt %reshape3A_11 : vector<2304x1xf32>
    %max3A = arith.constant 9.99999974E-6 : f32
    %max3A_42 = vector.broadcast %max3A : f32 to vector<2304x1xf32>
    %max3A_43 = arith.maximumf %sqrt3A, %max3A_42 : vector<2304x1xf32>
    %sqrt3A_44 = math.sqrt %dot_general3A_36 : vector<2304x1xf32>
    %max3A_45 = arith.constant 9.99999974E-6 : f32
    %max3A_46 = vector.broadcast %max3A_45 : f32 to vector<2304x1xf32>
    %max3A_47 = arith.maximumf %sqrt3A_44, %max3A_46 : vector<2304x1xf32>
    %mul3A_48 = arith.mulf %max3A_47, %max3A_47 : vector<2304x1xf32>
    %div3A = arith.divf %dot_general3A_36, %mul3A_48 : vector<2304x1xf32>
    %mul3A_49 = arith.mulf %max3A_43, %max3A_43 : vector<2304x1xf32>
    %div3A_50 = arith.divf %reshape3A_11, %mul3A_49 : vector<2304x1xf32>
    %add3A_51 = arith.addf %div3A, %div3A_50 : vector<2304x1xf32>
    %mul3A_52 = arith.constant 2.000000e+00 : f32
    %mul3A_53 = vector.broadcast %mul3A_52 : f32 to vector<2304x1xf32>
    %mul3A_54 = arith.mulf %mul3A_53, %mul3A_41 : vector<2304x1xf32>
    %mul3A_55 = arith.mulf %max3A_47, %max3A_43 : vector<2304x1xf32>
    %div3A_56 = arith.divf %mul3A_54, %mul3A_55 : vector<2304x1xf32>
    %sub3A_57 = arith.subf %add3A_51, %div3A_56 : vector<2304x1xf32>
    %reshape3A_58 = vector.shape_cast %sub3A_57 : vector<2304x1xf32> to vector<4x576xf32>
    %slice3A = vector.extract_strided_slice %reshape3A_58 {offsets = [0, 0], sizes = [1, 576], strides = [1, 1]} : vector<4x576xf32> to vector<1x576xf32>
    %squeeze3A_59 = vector.shape_cast %slice3A : vector<1x576xf32> to vector<576xf32>
    %reduce_sum3A = vector.shape_cast %squeeze3A_59 : vector<576xf32> to vector<1x576xf32>
    %reduce_sum3A_60 = arith.constant dense<0.000000e+00> : vector<1xf32>
    %reduce_sum3A_61 = vector.multi_reduction <add>, %reduce_sum3A, %reduce_sum3A_60 [1] : vector<1x576xf32> to vector<1xf32>
    %reduce_sum3A_62 = vector.shape_cast %reduce_sum3A_61 : vector<1xf32> to vector<1x1xf32>
    %reduce_sum3A_63 = vector.extract %reduce_sum3A_62[0, 0] : f32 from vector<1x1xf32>
    %div3A_64 = arith.constant 1.474560e+05 : f32
    %div3A_65 = arith.divf %reduce_sum3A_63, %div3A_64 : f32
    %mul3A_66 = arith.constant 4 : i32
    %mul3A_67 = arith.muli %arg0, %mul3A_66 : i32
    %add3A_68 = arith.constant 0 : i32
    %add3A_69 = arith.addi %mul3A_67, %add3A_68 : i32
    %swap3A_70 = arith.index_cast %add3A_69 : i32 to index
    %swap3A_71 = memref.load %arg6[%swap3A_70] : memref<8xf32, #tpu.memory_space<smem>>
    memref.store %div3A_65, %arg6[%swap3A_70] : memref<8xf32, #tpu.memory_space<smem>>
    %slice3A_72 = vector.extract_strided_slice %reshape3A_58 {offsets = [1, 0], sizes = [1, 576], strides = [1, 1]} : vector<4x576xf32> to vector<1x576xf32>
    %squeeze3A_73 = vector.shape_cast %slice3A_72 : vector<1x576xf32> to vector<576xf32>
    %reduce_sum3A_74 = vector.shape_cast %squeeze3A_73 : vector<576xf32> to vector<1x576xf32>
    %reduce_sum3A_75 = arith.constant dense<0.000000e+00> : vector<1xf32>
    %reduce_sum3A_76 = vector.multi_reduction <add>, %reduce_sum3A_74, %reduce_sum3A_75 [1] : vector<1x576xf32> to vector<1xf32>
    %reduce_sum3A_77 = vector.shape_cast %reduce_sum3A_76 : vector<1xf32> to vector<1x1xf32>
    %reduce_sum3A_78 = vector.extract %reduce_sum3A_77[0, 0] : f32 from vector<1x1xf32>
    %div3A_79 = arith.constant 1.474560e+05 : f32
    %div3A_80 = arith.divf %reduce_sum3A_78, %div3A_79 : f32
    %mul3A_81 = arith.constant 4 : i32
    %mul3A_82 = arith.muli %arg0, %mul3A_81 : i32
    %add3A_83 = arith.constant 1 : i32
    %add3A_84 = arith.addi %mul3A_82, %add3A_83 : i32
    %swap3A_85 = arith.index_cast %add3A_84 : i32 to index
    %swap3A_86 = memref.load %arg6[%swap3A_85] : memref<8xf32, #tpu.memory_space<smem>>
    memref.store %div3A_80, %arg6[%swap3A_85] : memref<8xf32, #tpu.memory_space<smem>>
    %slice3A_87 = vector.extract_strided_slice %reshape3A_58 {offsets = [2, 0], sizes = [1, 576], strides = [1, 1]} : vector<4x576xf32> to vector<1x576xf32>
    %squeeze3A_88 = vector.shape_cast %slice3A_87 : vector<1x576xf32> to vector<576xf32>
    %reduce_sum3A_89 = vector.shape_cast %squeeze3A_88 : vector<576xf32> to vector<1x576xf32>
    %reduce_sum3A_90 = arith.constant dense<0.000000e+00> : vector<1xf32>
    %reduce_sum3A_91 = vector.multi_reduction <add>, %reduce_sum3A_89, %reduce_sum3A_90 [1] : vector<1x576xf32> to vector<1xf32>
    %reduce_sum3A_92 = vector.shape_cast %reduce_sum3A_91 : vector<1xf32> to vector<1x1xf32>
    %reduce_sum3A_93 = vector.extract %reduce_sum3A_92[0, 0] : f32 from vector<1x1xf32>
    %div3A_94 = arith.constant 1.474560e+05 : f32
    %div3A_95 = arith.divf %reduce_sum3A_93, %div3A_94 : f32
    %mul3A_96 = arith.constant 4 : i32
    %mul3A_97 = arith.muli %arg0, %mul3A_96 : i32
    %add3A_98 = arith.constant 2 : i32
    %add3A_99 = arith.addi %mul3A_97, %add3A_98 : i32
    %swap3A_100 = arith.index_cast %add3A_99 : i32 to index
    %swap3A_101 = memref.load %arg6[%swap3A_100] : memref<8xf32, #tpu.memory_space<smem>>
    memref.store %div3A_95, %arg6[%swap3A_100] : memref<8xf32, #tpu.memory_space<smem>>
    %slice3A_102 = vector.extract_strided_slice %reshape3A_58 {offsets = [3, 0], sizes = [1, 576], strides = [1, 1]} : vector<4x576xf32> to vector<1x576xf32>
    %squeeze3A_103 = vector.shape_cast %slice3A_102 : vector<1x576xf32> to vector<576xf32>
    %reduce_sum3A_104 = vector.shape_cast %squeeze3A_103 : vector<576xf32> to vector<1x576xf32>
    %reduce_sum3A_105 = arith.constant dense<0.000000e+00> : vector<1xf32>
    %reduce_sum3A_106 = vector.multi_reduction <add>, %reduce_sum3A_104, %reduce_sum3A_105 [1] : vector<1x576xf32> to vector<1xf32>
    %reduce_sum3A_107 = vector.shape_cast %reduce_sum3A_106 : vector<1xf32> to vector<1x1xf32>
    %reduce_sum3A_108 = vector.extract %reduce_sum3A_107[0, 0] : f32 from vector<1x1xf32>
    %div3A_109 = arith.constant 1.474560e+05 : f32
    %div3A_110 = arith.divf %reduce_sum3A_108, %div3A_109 : f32
    %mul3A_111 = arith.constant 4 : i32
    %mul3A_112 = arith.muli %arg0, %mul3A_111 : i32
    %add3A_113 = arith.constant 3 : i32
    %add3A_114 = arith.addi %mul3A_112, %add3A_113 : i32
    %swap3A_115 = arith.index_cast %add3A_114 : i32 to index
    %swap3A_116 = memref.load %arg6[%swap3A_115] : memref<8xf32, #tpu.memory_space<smem>>
    memref.store %div3A_110, %arg6[%swap3A_115] : memref<8xf32, #tpu.memory_space<smem>>
    %dot_general3A_117 = arith.constant dense<0.000000e+00> : vector<2304x256xf32>
    %dot_general3A_118 = tpu.matmul %convert_element_type3A_34, %get3A_5, %dot_general3A_117 {dimension_numbers = #tpu.dot_dimension_numbers<[1], [0], [0], [1], [0, 0, 1, 1], [], []>, transpose_lhs_hint = false} : vector<2304x1024xf32>, vector<1024x256xf32>, vector<2304x256xf32> -> vector<2304x256xf32>
    %reshape3A_119 = vector.shape_cast %dot_general3A_118 : vector<2304x256xf32> to vector<4x576x256xf32>
    %swap3A_120 = arith.constant 0 : index
    %swap3A_121 = arith.constant 0 : index
    %swap3A_122 = arith.constant 0 : index
    %swap3A_123 = vector.load %arg7[%swap3A_120, %swap3A_121, %swap3A_122] : memref<4x576x256xf32, #tpu.memory_space<vmem>>, vector<4x576x256xf32>
    tpu.vector_store %arg7[%swap3A_120, %swap3A_121, %swap3A_122], %reshape3A_119 {strides = array<i32>} : memref<4x576x256xf32, #tpu.memory_space<vmem>>, vector<4x576x256xf32>,
    return
  }
  func.func @transform_0(%arg0: i32) -> (i32, i32, i32) {
    %add3A = arith.constant 2 : i32
    %add3A_0 = arith.addi %arg0, %add3A : i32
    %c0_i32 = arith.constant 0 : i32
    %c0_i32_1 = arith.constant 0 : i32
    %c0_i32_2 = arith.constant 0 : i32
    return %add3A_0, %c0_i32, %c0_i32_1 : i32, i32, i32
  }
  func.func @transform_1(%arg0: i32) -> (i32, i32) {
    %c0_i32 = arith.constant 0 : i32
    %c0_i32_0 = arith.constant 0 : i32
    %c0_i32_1 = arith.constant 0 : i32
    return %c0_i32, %c0_i32_0 : i32, i32
  }
  func.func @transform_2(%arg0: i32) -> i32 {
    %c0_i32 = arith.constant 0 : i32
    %c0_i32_0 = arith.constant 0 : i32
    return %c0_i32 : i32
  }
  func.func @transform_3(%arg0: i32) -> (i32, i32) {
    %c0_i32 = arith.constant 0 : i32
    %c0_i32_0 = arith.constant 0 : i32
    %c0_i32_1 = arith.constant 0 : i32
    return %c0_i32, %c0_i32_0 : i32, i32
  }
  func.func @transform_4(%arg0: i32) -> i32 {
    %c0_i32 = arith.constant 0 : i32
    %c0_i32_0 = arith.constant 0 : i32
    return %c0_i32 : i32
  }
  func.func @transform_5(%arg0: i32) -> i32 {
    %c0_i32 = arith.constant 0 : i32
    %c0_i32_0 = arith.constant 0 : i32
    return %c0_i32 : i32
  }
  func.func @transform_6(%arg0: i32) -> (i32, i32, i32) {
    %add3A = arith.constant 2 : i32
    %add3A_0 = arith.addi %arg0, %add3A : i32
    %c0_i32 = arith.constant 0 : i32
    %c0_i32_1 = arith.constant 0 : i32
    %c0_i32_2 = arith.constant 0 : i32
    return %add3A_0, %c0_i32, %c0_i32_1 : i32, i32, i32
  }
}

</mosaic_0001>

<sc_bundles>
// kernel: kernel.5.cloned.1.call-start
scs
__scs_entry_jumppad:
0x0: {  	(pc) =	sbr.rel $0x88, $3  }
0x1: {  	(tag) =	ssettag $0x0;
	lr =	simm.s32 $0x1  }
0x2: {  	[smem:$0x3F9F] =	sst lr;
	_ =	strace $0xD0000000  }
0x3: {  	_ = 	snop  }
0x4: {  	_ = 	snop  }
0x5: {  	_ = 	snop  }
0x6: {  	_ = 	snop  }
0x7: {  	_ = 	snop  }
__scs_overlays_trampoline_lowered:
0x8: {  	[smem:$0x3FAE] =	sst s0  }
0x9: {  	[smem:$0x3FAF] =	sst s1  }
0xa: {  	[smem:$0x3FB0] =	sst s2  }
0xb: {  	[smem:$0x3FB1] =	sst s3  }
0xc: {  	[smem:$0x3FB2] =	sst s4  }
0xd: {  	[smem:$0x3FB3] =	sst s5  }
0xe: {  	[smem:$0x3FB4] =	sst s6  }
0xf: {  	[smem:$0x3FB5] =	sst s7  }
0x10: {  	[smem:$0x3FB6] =	sst s8  }
0x11: {  	[smem:$0x3FB7] =	sst s9;
	s0 =	simm.s32 @!p0 $0x0  }
0x12: {  	s1 =	sld [smem:$0x3F9D];
	s0 =	simm.s32 @p0 $0x1  }
0x13: {  	[smem:$0x3FB8] =	sst s0;
	s0 =	simm.s32 @!p1 $0x0  }
0x14: {  	s2 =	sld [smem:$0x3F9C];
	s0 =	simm.s32 @p1 $0x1  }
0x15: {  	[smem:$0x3FB9] =	sst s0;
	s0 =	simm.s32 @!p2 $0x0  }
0x16: {  	s3 =	sld [smem:$0x3FDB];
	s0 =	simm.s32 @p2 $0x1  }
0x17: {  	s4 =	simm.s32 $0x1BF5;
	[smem:$0x3FBB] =	sst s0  }
0x18: {  	s0 =	sld [smem:$0x3F9E];
	_ =	swait.ge [sflag:s4], $0x0  }
0x19: {  	s7 =	sld [smem:$0x3F9F]  }
0x1a: {  	s8 =	sadd.s32 $0xFFFFE003, lr  }
0x1b: {  	s9 =	sadd.s32 $0xFFFFFEF7, lr;
	s5 =	simm.s32 $0xFFFFFFFF;
	p2 =	slt.u32 s8, $0xFFFFF086  }
0x1c: {  	p1 =	slt.u32 s9, $0xF7A;
	s5 =	simm.s32 @!p2 $0x0  }
0x1d: {  	s5 =	simm.s32 @p1 $0x1;
	p0 =	seq.s32 s7, s2  }
0x1e: {  	s7 =	smul.u32 @!p0 $0xF7A, s2;
	p2 =	seq.s32 @!p0 s5, $0x0  }
0x1f: {  	s9 =	smul.u32 $0xF7A, s1;
	s8 =	simm.s32 @!p0 $0x1BF5;
	p2 =	por !p2, p0  }
0x20: {  	[sflag:s8] =	ssyncset.s32 @!p0 $0xFFFFF086;
	s6 =	sadd.s32 @!p0 s3, s7;
	s7 =	simm.s32 @!p0 $0x108  }
0x21: {  	s3 =	sadd.s32 s3, s9;
	s6 =	sadd.s32 @!p0 $0x88, s6;
	s7 =	simm.s32 @p2 $0x1082  }
0x22: {  	[simem:s7], [sflag:s8] =	dma.local @!p0 [hbm:s6], $0xF7A  }
0x23: {  	s9 =	sor.u32 $0xD0000000, s2;
	s6 =	simm.s32 $0x108;
	_ =	swait.ge @!p0 [sflag:s8], $0x0  }
0x24: {  	s3 =	sadd.s32 $0x88, s3;
	s6 =	simm.s32 @!p1 $0x1082;
	[sflag:s4] =	ssyncset.s32 $0xFFFFF086  }
0x25: {  	[simem:s6], [sflag:s4] =	dma.local [hbm:s3], $0xF7A  }
0x26: {  	[smem:$0x3F9F] =	sst s1;
	(tag) =	ssettag s2;
	_ =	strace s9  }
0x27: {  	s1 =	sld [smem:$0x3FAF]  }
0x28: {  	s2 =	sld [smem:$0x3FB0]  }
0x29: {  	s4 =	sld [smem:$0x3FB2]  }
0x2a: {  	p0 =	seq.s32 s5, $0x0;
	s5 =	sld [smem:$0x3FB3]  }
0x2b: {  	s6 =	sld [smem:$0x3FB4]  }
0x2c: {  	s7 =	sld [smem:$0x3FB5]  }
0x2d: {  	s3 =	simm.s32 $0x108;
	s8 =	sld [smem:$0x3FB6]  }
0x2e: {  	s3 =	simm.s32 @!p0 $0x1082;
	s9 =	sld [smem:$0x3FB7]  }
0x2f: {  	lr =	sadd.s32 s0, s3;
	s0 =	sld [smem:$0x3FAE]  }
0x30: {  	s3 =	sld [smem:$0x3FB1]  }
0x31: {  	[smem:$0x3FBA] =	sst s10  }
0x32: {  	s10 =	sld [smem:$0x3FB8];
	_ =	sdelay $0x3  }
0x33: {  	p0 =	seq.s32 s10, $0x1;
	s10 =	sld [smem:$0x3FBA];
	_ =	sdelay $0x3  }
0x34: {  	[smem:$0x3FBA] =	sst s10  }
0x35: {  	s10 =	sld [smem:$0x3FB9];
	_ =	sdelay $0x3  }
0x36: {  	p1 =	seq.s32 s10, $0x1;
	s10 =	sld [smem:$0x3FBA];
	_ =	sdelay $0x3  }
0x37: {  	[smem:$0x3FBA] =	sst s10  }
0x38: {  	s10 =	sld [smem:$0x3FBB]  }
0x39: {  	_ = 	snop;
	(pc) =	sbr.ind lr, $3  }
0x3a: {  	_ = 	snop  }
0x3b: {  	_ = 	snop  }
0x3c: {  	p2 =	seq.s32 s10, $0x1;
	s10 =	sld [smem:$0x3FBA]  }
0x3d: {  	_ =	shalt  }
0x3e: {  	_ =	shalt  }
0x3f: {  	_ =	shalt  }
0x40: {  	_ =	shalt  }
0x41: {  	_ =	shalt  }
0x42: {  	_ =	shalt  }
0x43: {  	_ =	shalt  }
0x44: {  	_ =	shalt  }
0x45: {  	_ =	shalt  }
0x46: {  	_ =	shalt  }
0x47: {  	_ =	shalt  }
0x48: {  	_ =	shalt  }
0x49: {  	_ =	shalt  }
0x4a: {  	_ =	shalt  }
0x4b: {  	_ =	shalt  }
0x4c: {  	_ =	shalt  }
0x4d: {  	_ =	shalt  }
0x4e: {  	_ =	shalt  }
0x4f: {  	_ =	shalt  }
0x50: {  	_ =	shalt  }
0x51: {  	_ =	shalt  }
0x52: {  	_ =	shalt  }
0x53: {  	_ =	shalt  }
0x54: {  	_ =	shalt  }
0x55: {  	_ =	shalt  }
0x56: {  	_ =	shalt  }
0x57: {  	_ =	shalt  }
0x58: {  	_ =	shalt  }
0x59: {  	_ =	shalt  }
0x5a: {  	_ =	shalt  }
0x5b: {  	_ =	shalt  }
0x5c: {  	_ =	shalt  }
0x5d: {  	_ =	shalt  }
0x5e: {  	_ =	shalt  }
0x5f: {  	_ =	shalt  }
0x60: {  	_ =	shalt  }
0x61: {  	_ =	shalt  }
0x62: {  	_ =	shalt  }
0x63: {  	_ =	shalt  }
0x64: {  	_ =	shalt  }
0x65: {  	_ =	shalt  }
0x66: {  	_ =	shalt  }
0x67: {  	_ =	shalt  }
0x68: {  	_ =	shalt  }
0x69: {  	_ =	shalt  }
0x6a: {  	_ =	shalt  }
0x6b: {  	_ =	shalt  }
0x6c: {  	_ =	shalt  }
0x6d: {  	_ =	shalt  }
0x6e: {  	_ =	shalt  }
0x6f: {  	_ =	shalt  }
0x70: {  	_ =	shalt  }
0x71: {  	_ =	shalt  }
0x72: {  	_ =	shalt  }
0x73: {  	_ =	shalt  }
0x74: {  	_ =	shalt  }
0x75: {  	_ =	shalt  }
0x76: {  	_ =	shalt  }
0x77: {  	_ =	shalt  }
0x78: {  	_ =	shalt  }
0x79: {  	_ =	shalt  }
0x7a: {  	_ =	shalt  }
0x7b: {  	_ =	shalt  }
0x7c: {  	_ =	shalt  }
0x7d: {  	_ =	shalt  }
0x7e: {  	_ =	shalt  }
0x7f: {  	_ =	shalt  }
0x80: {  	_ =	shalt  }
0x81: {  	_ =	shalt  }
0x82: {  	_ =	shalt  }
0x83: {  	_ =	shalt  }
0x84: {  	_ =	shalt  }
0x85: {  	_ =	shalt  }
0x86: {  	_ =	shalt  }
0x87: {  	_ =	shalt  }
.Lfunc_end0:
.L_simem_size_0:
called_computation_lowered:
.L_overlay_start_0:
0x88: {  	s2 =	sld [smem:$0x3FD9]  }
0x89: {  	s3 =	sld [smem:$0x3FFE];
	_ =	sdelay $0x1  }
0x8a: {  	s1 =	srdreg.scid  }
0x8b: {  	s0 =	sand.u32 $0x1, s1  }
0x8c: {  	s17 =	sshll.u32 s0, $0xA;
	s2 =	sadd.s32 s3, s2  }
0x8d: {  	s2 =	sadd.s32 s2, s17  }
0x8e: {  	[smem:$0x3FC6] =	sst s2  }
0x8f: {  	_ = 	snop  }
0x90: {  	s2 =	sld [smem:$0x3FC8];
	(tm) =	ssettm $0x1  }
0x91: {  	s18 =	sld [smem:$0x3FFB];
	_ =	sdelay $0x3  }
0x92: {  	_ =	strace s18  }
0x93: {  	s3 =	sld [smem:$0x3FFC];
	_ =	sdelay $0x3  }
0x94: {  	_ =	strace s3  }
0x95: {  	s3 =	sld [smem:$0x3FFD];
	_ =	sdelay $0x3  }
0x96: {  	_ =	strace s3  }
0x97: {  	_ =	strace $0x8FFFFFFF  }
0x98: {  	s19 =	sld [smem:$0x3FDB];
	_ =	sdelay $0x1  }
0x99: {  	s4 =	simm.s32 $_scs_section_size  }
0x9a: {  	s5 =	simm.s32 $_size__tile_overlayer_lowered;
	s6 =	simm.s32 $_tile_overlayer_lowered  }
0x9b: {  	s22 =	simm.s32 $0x1BFF;
	s21 =	sshll.u32 s6, $0x1;
	s3 =	sadd.s32 s4, s19  }
0x9c: {  	s7 =	simm.s32 $0x0;
	s20 =	sshll.u32 s5, $0x1;
	s5 =	sadd.s32 s21, s3  }
0x9d: {  	[timem:s7], [sflag:s22] =	dma.local [hbm:s5], s20  }
0x9e: {  	_ =	swait.ge [sflag:s22], s20  }
0x9f: {  	s4 =	ssub.s32 $0x0, s20;
	[sflag:s22] =	ssyncset.done $0x0  }
0xa0: {  	[sflag:s22] =	ssyncadd.s32 s4;
	_ =	sdelay $0x1  }
0xa1: {  	s23 =	simm.s32 $0x1B8B  }
0xa2: {  	_ =	swait.ge [sflag:s23], $0x1  }
0xa3: {  	[sflag:s23] =	ssyncset.done $0x0  }
0xa4: {  	s25 =	simm.s32 $0x1B8E;
	s24 =	sld [smem:$0x3FFE];
	[sflag:s23] =	ssyncadd.s32 $0xFFFFFFFF  }
0xa5: {  	s26 =	simm.s32 $execute0_lowered;
	[smem:$0x3FD2] =	sst s25  }
0xa6: {  	s5 =	sshll.u32 s26, $0x1;
	_ =	strace $0x80000046;
	[dreg:$0x1] =	wrdreg $0xFFFFFFFF  }
0xa7: {  	s28 =	simm.s32 $_size_execute0_lowered;
	s3 =	sadd.s32 s3, s5;
	[dreg:$0x0] =	wrdreg $0x0  }
0xa8: {  	s5 =	sshll.u32 s28, $0x1;
	[dreg:$0x2] =	wrdreg s3  }
0xa9: {  	[dreg:$0x3] =	wrdreg s5  }
0xaa: {  	[dreg:$0x4] =	wrdreg $0xC0  }
0xab: {  	_ =	task [dreg:s7], $0x5FFFF  }
0xac: {  	[dreg:$0x1] =	wrdreg $0xFFFFFFFF  }
0xad: {  	[dreg:$0x0] =	wrdreg $0x60  }
0xae: {  	[dreg:$0x2] =	wrdreg s2  }
0xaf: {  	[dreg:$0x3] =	wrdreg s24  }
0xb0: {  	[dreg:$0x4] =	wrdreg $0x9  }
0xb1: {  	_ =	task.clear_ibuf [dreg:s7], $0x5FFFF;
	_ =	strace $0x90000046  }
0xb2: {  	s29 =	simm.s32 $0x9;
	_ =	strace $0x80000048  }
0xb3: {  	_ =	swait.ge [sflag:s29], $0x1  }
0xb4: {  	[sflag:s29] =	ssyncadd.s32 $0xFFFFFFFF  }
0xb5: {  	_ =	strace $0x90000048  }
0xb6: {  	_ =	sfence  }
0xb7: {  	s30 =	sld [smem:$0x0];
	_ =	sdelay $0x2  }
0xb8: {  	s31 =	sshll.u32 s1, $0xD;
	s1 =	sshrl.u32 s1, $0x2  }
0xb9: {  	s3 =	sand.u32 $0x4000, s31;
	s1 =	sadd.s32 s1, s30  }
0xba: {  	s0 =	sor.u32 s3, s0;
	s1 =	sshll.u32 s1, $0x11  }
0xbb: {  	s0 =	sor.u32 s1, s0  }
0xbc: {  	s0 =	sadd.s32 $0x8F2B, s0  }
0xbd: {  	[sflag:s0] =	ssyncadd.remote.s32 $0x1  }
0xbe: {  	_ =	sfence.sel $0xFFFF  }
0xbf: {  	[dreg:$0x0] =	wrdreg $0xFFFFFFFF;
	(pc) =	sbr.abs _section_cstart, $3  }
0xc0: {  	[dreg:$0x1] =	wrdreg $0xFFFFFFFF  }
0xc1: {  	_ =	task.clear_ibuf [dreg:s7], $0x2FFFF;
	_ =	strace $0x9FFFFFFF  }
0xc2: {  	(tm) =	ssettm $0x7FFFFFFF  }
0xc3: {  	_ =	shalt  }
tec
execute0_lowered:
.L_overlay_start_1:
0x0: {  	(tag) =	ssettag $0x1  }
0x1: {  	s2 =	rddreg [dreg:$0x0];
	s1 =	srdreg.scid  }
0x2: {  	s0 =	stileid.u32;
	s4 =	rddreg [dreg:$0x1]  }
0x3: {  	s3 =	simm.s32 $0x0;
	s10 =	simm.s32 $0x900;
	s11 =	simm.s32 $0x1100  }
0x4: {  	s12 =	simm.s32 $0x1900;
	s13 =	simm.s32 $0x2100;
	s14 =	simm.s32 $0x2900  }
0x5: {  	s15 =	simm.s32 $0x3100;
	s16 =	simm.s32 $0x3900;
	s17 =	simm.s32 $0x4100  }
0x6: {  	s18 =	simm.s32 $0x4900;
	s19 =	simm.s32 $0x5100;
	s20 =	simm.s32 $0x5900  }
0x7: {  	s21 =	simm.s32 $0x6100;
	s22 =	simm.s32 $0x6900;
	s23 =	simm.s32 $0x7100  }
0x8: {  	s24 =	simm.s32 $0x7900;
	s25 =	simm.s32 $0x8100;
	s28 =	simm.s32 $0x1  }
0x9: {  	s29 =	simm.s32 $0x2;
	s5 =	sand.u32 $0x1, s1;
	s6 =	sshll.u32 s0, $0x1  }
0xa: {  	s30 =	simm.s32 $0x3;
	s31 =	simm.s32 $0x4;
	s6 =	sor.u32 s5, s6  }
0xb: {  	[smem:$0x7FF] =	sst s3;
	s5 =	ssub.s32 $0x2, s5;
	s7 =	smul.u32 $0x12, s6  }
0xc: {  	_ =	strace $0x80000047;
	s8 =	smul.u32 $0x9000, s6;
	s9 =	sshrl.u32 s5, $0x1  }
0xd: {  	s6 =	smul.u32 $0x1200, s6;
	s9 =	ssub.s32 s5, s9;
	s7 =	sadd.s32 s7, s4  }
0xe: {  	s4 =	sadd.s32 $0xE00, s4;
	s8 =	sshrl.u32 s8, $0x3;
	s7 =	sadd.s32 $0xA00, s7  }
0xf: {  	v2 =	vlaneseq.u32;
	s26 =	sadd.s32 s4, s8;
	s4 =	sadd.s32 s4, s6;
	s8 =	simm.s32 $0x5  }
0x10: {  	vm0 =	vmmov $0xffff;
	v1 =	vshrl.u32 v2, $0x3;
	[dreg:$0x3] =	wrdreg s7;
	s5 =	sadd.s32 $0x600, s26;
	s6 =	sadd.s32 $0xC00, s26  }
0x11: {  	v0 =	vand.u32 $0x7, v2;
	v2 =	vor.u32 $0x8, v2;
	v1 =	vmul.u32 $0x8, v1;
	s7 =	smax.u32 s9, $0x1;
	s9 =	simm.s32 $0x100;
	s26 =	simm.s32 $0x8900  }
.LBB2_1:
0x12: {  	s1 =	rddreg [dreg:$0x3]  }
0x13: {  	[tilespmem:s3], [sflag:$0x5] =	stream.linear.gather [hbm4b:s1+s3], $0x90, $0x38;
	[tilespmem:$0x9100] =	vst v63  }
0x14: {  	_ =	swait.ge [sflag:s8], $0x90  }
0x15: {  	[sflag:s8] =	ssyncset.done $0x0  }
0x16: {  	[sflag:s8] =	ssyncadd.s32 $0xFFFFFF70  }
0x17: {  	v3 =	vld [tilespmem:$0x0];
	_ =	sdelay $0x4  }
0x18: {  	v4 =	vshll.u32 v3, $0x1  }
0x19: {  	v3 =	vand.u32 $0x7, v3;
	v4 =	vand.u32 $0xFFFFFFF0, v4  }
0x1a: {  	v3 =	vor.u32 v3, v4  }
0x1b: {  	v4 =	vperm.xlane v3, v0;
	_ =	sdelay $0x1  }
0x1c: {  	v3 =	vperm.xlane v3, v2;
	v4 =	vadd.s32 v1, v4;
	_ =	sdelay $0x1  }
0x1d: {  	v3 =	vadd.s32 v1, v3;
	_ =	sdelay $0x2  }
0x1e: {  	[tilespmem:s9], [sflag:$0x1] =	stream.indirect_vreg.gather [hbm4b:s2+s3], $0x80, v4, vm0, $0xb8;
	[tilespmem:$0x9100] =	vst v63  }
0x1f: {  	_ = 	snop  }
0x20: {  	[tilespmem:s10], [sflag:$0x1] =	stream.indirect_vreg.gather [hbm4b:s2+s3], $0x80, v3, vm0, $0xb8;
	[tilespmem:$0x9100] =	vst v63  }
0x21: {  	v3 =	vld [tilespmem:$0x10];
	_ =	sdelay $0x4  }
0x22: {  	v56 =	vshll.u32 v3, $0x1  }
0x23: {  	v3 =	vand.u32 $0x7, v3;
	v4 =	vand.u32 $0xFFFFFFF0, v56  }
0x24: {  	v3 =	vor.u32 v3, v4  }
0x25: {  	v4 =	vperm.xlane v3, v0;
	_ =	sdelay $0x1  }
0x26: {  	v3 =	vperm.xlane v3, v2;
	v4 =	vadd.s32 v1, v4;
	_ =	sdelay $0x1  }
0x27: {  	v3 =	vadd.s32 v1, v3;
	_ =	sdelay $0x2  }
0x28: {  	[tilespmem:s11], [sflag:$0x1] =	stream.indirect_vreg.gather [hbm4b:s2+s3], $0x80, v4, vm0, $0xb8;
	[tilespmem:$0x9100] =	vst v63  }
0x29: {  	_ = 	snop  }
0x2a: {  	[tilespmem:s12], [sflag:$0x1] =	stream.indirect_vreg.gather [hbm4b:s2+s3], $0x80, v3, vm0, $0xb8;
	[tilespmem:$0x9100] =	vst v63  }
0x2b: {  	v3 =	vld [tilespmem:$0x20];
	_ =	sdelay $0x4  }
0x2c: {  	v57 =	vshll.u32 v3, $0x1  }
0x2d: {  	v3 =	vand.u32 $0x7, v3;
	v4 =	vand.u32 $0xFFFFFFF0, v57  }
0x2e: {  	v3 =	vor.u32 v3, v4  }
0x2f: {  	v4 =	vperm.xlane v3, v0;
	_ =	sdelay $0x1  }
0x30: {  	v3 =	vperm.xlane v3, v2;
	v4 =	vadd.s32 v1, v4;
	_ =	sdelay $0x1  }
0x31: {  	v3 =	vadd.s32 v1, v3;
	_ =	sdelay $0x2  }
0x32: {  	[tilespmem:s13], [sflag:$0x1] =	stream.indirect_vreg.gather [hbm4b:s2+s3], $0x80, v4, vm0, $0xb8;
	[tilespmem:$0x9100] =	vst v63  }
0x33: {  	_ = 	snop  }
0x34: {  	[tilespmem:s14], [sflag:$0x1] =	stream.indirect_vreg.gather [hbm4b:s2+s3], $0x80, v3, vm0, $0xb8;
	[tilespmem:$0x9100] =	vst v63  }
0x35: {  	v3 =	vld [tilespmem:$0x30];
	_ =	sdelay $0x4  }
0x36: {  	v58 =	vshll.u32 v3, $0x1  }
0x37: {  	v3 =	vand.u32 $0x7, v3;
	v4 =	vand.u32 $0xFFFFFFF0, v58  }
0x38: {  	v3 =	vor.u32 v3, v4  }
0x39: {  	v4 =	vperm.xlane v3, v0;
	_ =	sdelay $0x1  }
0x3a: {  	v3 =	vperm.xlane v3, v2;
	v4 =	vadd.s32 v1, v4;
	_ =	sdelay $0x1  }
0x3b: {  	v3 =	vadd.s32 v1, v3;
	_ =	sdelay $0x2  }
0x3c: {  	[tilespmem:s15], [sflag:$0x2] =	stream.indirect_vreg.gather [hbm4b:s2+s3], $0x80, v4, vm0, $0xb8;
	[tilespmem:$0x9100] =	vst v63  }
0x3d: {  	_ = 	snop  }
0x3e: {  	[tilespmem:s16], [sflag:$0x2] =	stream.indirect_vreg.gather [hbm4b:s2+s3], $0x80, v3, vm0, $0xb8;
	[tilespmem:$0x9100] =	vst v63  }
0x3f: {  	v3 =	vld [tilespmem:$0x40];
	_ =	sdelay $0x4  }
0x40: {  	v59 =	vshll.u32 v3, $0x1  }
0x41: {  	v3 =	vand.u32 $0x7, v3;
	v4 =	vand.u32 $0xFFFFFFF0, v59  }
0x42: {  	v3 =	vor.u32 v3, v4  }
0x43: {  	v4 =	vperm.xlane v3, v0;
	_ =	sdelay $0x1  }
0x44: {  	v3 =	vperm.xlane v3, v2;
	v4 =	vadd.s32 v1, v4;
	_ =	sdelay $0x1  }
0x45: {  	v3 =	vadd.s32 v1, v3;
	_ =	sdelay $0x2  }
0x46: {  	[tilespmem:s17], [sflag:$0x2] =	stream.indirect_vreg.gather [hbm4b:s2+s3], $0x80, v4, vm0, $0xb8;
	[tilespmem:$0x9100] =	vst v63  }
0x47: {  	_ = 	snop  }
0x48: {  	[tilespmem:s18], [sflag:$0x2] =	stream.indirect_vreg.gather [hbm4b:s2+s3], $0x80, v3, vm0, $0xb8;
	[tilespmem:$0x9100] =	vst v63  }
0x49: {  	v3 =	vld [tilespmem:$0x50];
	_ =	sdelay $0x4  }
0x4a: {  	v60 =	vshll.u32 v3, $0x1  }
0x4b: {  	v3 =	vand.u32 $0x7, v3;
	v4 =	vand.u32 $0xFFFFFFF0, v60  }
0x4c: {  	v3 =	vor.u32 v3, v4  }
0x4d: {  	v4 =	vperm.xlane v3, v0;
	_ =	sdelay $0x1  }
0x4e: {  	v3 =	vperm.xlane v3, v2;
	v4 =	vadd.s32 v1, v4;
	_ =	sdelay $0x1  }
0x4f: {  	v3 =	vadd.s32 v1, v3;
	_ =	sdelay $0x2  }
0x50: {  	[tilespmem:s19], [sflag:$0x2] =	stream.indirect_vreg.gather [hbm4b:s2+s3], $0x80, v4, vm0, $0xb8;
	[tilespmem:$0x9100] =	vst v63  }
0x51: {  	_ = 	snop  }
0x52: {  	[tilespmem:s20], [sflag:$0x2] =	stream.indirect_vreg.gather [hbm4b:s2+s3], $0x80, v3, vm0, $0xb8;
	[tilespmem:$0x9100] =	vst v63  }
0x53: {  	v3 =	vld [tilespmem:$0x60];
	_ =	sdelay $0x4  }
0x54: {  	v61 =	vshll.u32 v3, $0x1  }
0x55: {  	v3 =	vand.u32 $0x7, v3;
	v4 =	vand.u32 $0xFFFFFFF0, v61  }
0x56: {  	v3 =	vor.u32 v3, v4  }
0x57: {  	v4 =	vperm.xlane v3, v0;
	_ =	sdelay $0x1  }
0x58: {  	v3 =	vperm.xlane v3, v2;
	v4 =	vadd.s32 v1, v4;
	_ =	sdelay $0x1  }
0x59: {  	v3 =	vadd.s32 v1, v3;
	_ =	sdelay $0x2  }
0x5a: {  	[tilespmem:s21], [sflag:$0x3] =	stream.indirect_vreg.gather [hbm4b:s2+s3], $0x80, v4, vm0, $0xb8;
	[tilespmem:$0x9100] =	vst v63  }
0x5b: {  	_ = 	snop  }
0x5c: {  	[tilespmem:s22], [sflag:$0x3] =	stream.indirect_vreg.gather [hbm4b:s2+s3], $0x80, v3, vm0, $0xb8;
	[tilespmem:$0x9100] =	vst v63  }
0x5d: {  	v3 =	vld [tilespmem:$0x70];
	_ =	sdelay $0x4  }
0x5e: {  	v62 =	vshll.u32 v3, $0x1  }
0x5f: {  	v3 =	vand.u32 $0x7, v3;
	v4 =	vand.u32 $0xFFFFFFF0, v62  }
0x60: {  	v3 =	vor.u32 v3, v4  }
0x61: {  	v4 =	vperm.xlane v3, v0;
	_ =	sdelay $0x1  }
0x62: {  	v3 =	vperm.xlane v3, v2;
	v4 =	vadd.s32 v1, v4;
	_ =	sdelay $0x1  }
0x63: {  	v3 =	vadd.s32 v1, v3;
	_ =	sdelay $0x2  }
0x64: {  	[tilespmem:s23], [sflag:$0x3] =	stream.indirect_vreg.gather [hbm4b:s2+s3], $0x80, v4, vm0, $0xb8;
	[tilespmem:$0x9100] =	vst v63  }
0x65: {  	_ = 	snop  }
0x66: {  	[tilespmem:s24], [sflag:$0x3] =	stream.indirect_vreg.gather [hbm4b:s2+s3], $0x80, v3, vm0, $0xb8;
	[tilespmem:$0x9100] =	vst v63  }
0x67: {  	v3 =	vld [tilespmem:$0x80];
	_ =	sdelay $0x4  }
0x68: {  	v63 =	vshll.u32 v3, $0x1  }
0x69: {  	v3 =	vand.u32 $0x7, v3;
	v4 =	vand.u32 $0xFFFFFFF0, v63  }
0x6a: {  	v3 =	vor.u32 v3, v4  }
0x6b: {  	v4 =	vperm.xlane v3, v0;
	_ =	sdelay $0x1  }
0x6c: {  	v3 =	vperm.xlane v3, v2;
	v4 =	vadd.s32 v1, v4;
	_ =	sdelay $0x1  }
0x6d: {  	v3 =	vadd.s32 v1, v3;
	_ =	sdelay $0x2  }
0x6e: {  	[tilespmem:s25], [sflag:$0x3] =	stream.indirect_vreg.gather [hbm4b:s2+s3], $0x80, v4, vm0, $0xb8;
	[tilespmem:$0x9100] =	vst v63  }
0x6f: {  	_ = 	snop  }
0x70: {  	[tilespmem:s26], [sflag:$0x3] =	stream.indirect_vreg.gather [hbm4b:s2+s3], $0x80, v3, vm0, $0xb8;
	[tilespmem:$0x9100] =	vst v63  }
0x71: {  	_ =	swait.ge [sflag:s28], $0x3000  }
0x72: {  	[sflag:s28] =	ssyncset.done $0x0  }
0x73: {  	[sflag:s28] =	ssyncadd.s32 $0xFFFFD000  }
0x74: {  	[hbm4b:s4+s3] =	stream.linear.scatter [tilespmem:s9], [sflag:$0x4], $0x3000, $0x38;
	[tilespmem:$0x9100] =	vst v63  }
0x75: {  	_ =	swait.ge [sflag:s29], $0x3000  }
0x76: {  	[sflag:s29] =	ssyncset.done $0x0  }
0x77: {  	[sflag:s29] =	ssyncadd.s32 $0xFFFFD000  }
0x78: {  	[hbm4b:s5+s3] =	stream.linear.scatter [tilespmem:s15], [sflag:$0x4], $0x3000, $0x38;
	[tilespmem:$0x9100] =	vst v63  }
0x79: {  	_ =	swait.ge [sflag:s30], $0x3000  }
0x7a: {  	[sflag:s30] =	ssyncset.done $0x0  }
0x7b: {  	[sflag:s30] =	ssyncadd.s32 $0xFFFFD000  }
0x7c: {  	[hbm4b:s6+s3] =	stream.linear.scatter [tilespmem:s21], [sflag:$0x4], $0x3000, $0x38;
	[tilespmem:$0x9100] =	vst v63  }
0x7d: {  	_ =	swait.ge [sflag:s31], $0x3000  }
0x7e: {  	[sflag:s31] =	ssyncset.done $0x0  }
0x7f: {  	[sflag:s31] =	ssyncadd.s32 $0xFFFFD000  }
0x80: {  	p0 =	sne.s32 s7, $0x1;
	_ =	swait.ge [sflag:s31], $0x3000  }
.Ltmp0:
0x81: {  	[sflag:s31] =	ssyncset.done $0x0;
	(pc) =	sbr.rel @p0 .LBB2_1-.Ltmp0, $4  }
0x82: {  	[sflag:s31] =	ssyncadd.s32 $0xFFFFD000  }
0x83: {  	_ =	swait.ge [sflag:s31], $0x3000  }
0x84: {  	[sflag:s31] =	ssyncset.done $0x0  }
0x85: {  	s7 =	sadd.s32 $0xFFFFFFFF, s7;
	[sflag:s31] =	ssyncadd.s32 $0xFFFFD000  }
0x86: {  	_ =	sfence.sel $0x180000  }
0x87: {  	[bflag:$0x0] =	sbarrier.arrive $0xFFFF  }
0x88: {  	_ =	strace $0x90000047  }
0x89: {  	[bflag:$0x2] =	sbarrier.arrive $0xFFFF  }
0x8a: {  	p0 =	sne.s32 s0, $0x0;
	s0 =	rddreg [dreg:$0x2]  }
0x8b: {  	s0 =	sadd.s32 @!p0 $0x100000, s0  }
0x8c: {  	[sflag:s0] =	ssyncadd.tile.s32 @!p0 $0x1;
	_ =	shalt  }
.Lfunc_end2:
_tile_overlayer_lowered:
.L_overlay_start_2:
0x8d: {  	(tag) =	ssettag $0x2  }
0x8e: {  	s0 =	rddreg [dreg:$0x0];
	s2 =	stileid.u32  }
0x8f: {  	s1 =	rddreg [dreg:$0x1];
	p0 =	sne.s32 s2, $0x0  }
0x90: {  	s3 =	rddreg [dreg:$0x2];
	[bflag:$0x3] =	sbarrier.arrive $0xFFFF;
	s2 =	simm.s32 @!p0 $0x1C05  }
0x91: {  	[timem:s3], [sflag:s2] =	dma.local @!p0 [hbm:s0], s1  }
0x92: {  	s0 =	simm.s32 @!p0 $0x5  }
0x93: {  	_ =	swait.ge @!p0 [sflag:s0], s1  }
0x94: {  	s1 =	ssub.s32 @!p0 $0x0, s1;
	[sflag:s0] =	ssyncset.done @!p0 $0x0  }
0x95: {  	[sflag:s0] =	ssyncadd.s32 @!p0 s1  }
0x96: {  	[bflag:$0x3] =	sbarrier.arrive $0xFFFF  }
0x97: {  	_ =	shalt  }

</sc_bundles>
